<compile_context>
chip_gen: v7x
topology: tpu7x:2x2x1
jax: 0.10.2.dev20260603
libtpu: 0.0.44.dev20260713+nightly
codegen_flags: <defaults>
</compile_context>

<pallas_src>
import functools

import jax
import jax.numpy as jnp
from jax import lax
from jax.experimental import pallas as pl
from jax.experimental.pallas import tpu as pltpu
from jax.experimental.pallas import tpu_sc as plsc

DIM = 256
RES = 6
NUM_LEAD = 41
TABLE_PAD = 48
LANES = 16
CHUNK = 128
NBUF = 3
SUBREP = 2


def _mlp_body(emb_ref, w1_ref, b1_ref, w2_ref, b2_ref, out_ref):
    h = jnp.dot(emb_ref[...], w1_ref[...], preferred_element_type=jnp.float32)
    h = h + b1_ref[...]
    h = 0.5 * h * (1.0 + lax.erf(h * (2.0 ** -0.5)))
    out_ref[...] = (
        jnp.dot(h, w2_ref[...], preferred_element_type=jnp.float32) + b2_ref[...]
    )


def _mlp_table(emb_pad, W1, b1, W2, b2):
    return pl.pallas_call(
        _mlp_body,
        out_shape=jax.ShapeDtypeStruct((TABLE_PAD, DIM), jnp.float32),
    )(emb_pad, W1, b1.reshape(1, -1), W2, b2.reshape(1, -1))


@functools.lru_cache(maxsize=None)
def _make_gather(B):
    info = plsc.get_sparse_core_info()
    NC, NS = info.num_cores, info.num_subcores
    NW = NC * NS
    n_ch = B // (NW * CHUNK)
    mesh = plsc.VectorSubcoreMesh(core_axis_name="c", subcore_axis_name="s")

    @functools.partial(
        pl.kernel,
        mesh=mesh,
        out_type=(
            jax.ShapeDtypeStruct((B, DIM), jnp.float32),
            jax.ShapeDtypeStruct((NW * SUBREP * TABLE_PAD, DIM), jnp.float32),
        ),
        scratch_types=(
            [pltpu.VMEM((TABLE_PAD, DIM), jnp.float32),
             pltpu.VMEM((n_ch, CHUNK), jnp.int32)]
            + [pltpu.VMEM((CHUNK, DIM), jnp.float32) for _ in range(NBUF)]
            + [pltpu.SemaphoreType.DMA for _ in range(2 * NBUF + 2)]
        ),
    )
    def gather_k(lh_hbm, table_hbm, out_hbm, reps_hbm, tstage, idx_v,
                 *bufs_sems):
        bufs = bufs_sems[:NBUF]
        gsems = bufs_sems[NBUF:2 * NBUF]
        wsems = bufs_sems[2 * NBUF:3 * NBUF]
        rsem = bufs_sems[3 * NBUF]
        tsem = bufs_sems[3 * NBUF + 1]
        wid = lax.axis_index("s") * NC + lax.axis_index("c")
        base = wid * n_ch * CHUNK

        table_read = pltpu.async_copy(table_hbm, tstage, tsem)
        for j in range(n_ch):
            pltpu.sync_copy(lh_hbm.at[pl.ds(base + j * CHUNK, CHUNK)],
                            idx_v.at[j])
        rep_pat = (lax.iota(jnp.int32, LANES) & (SUBREP - 1)) * TABLE_PAD
        for j in range(n_ch):
            for i in range(CHUNK // LANES):
                v = idx_v[j, pl.ds(i * LANES, LANES)]
                f = v.astype(jnp.float32) / float(RES)
                idx_v[j, pl.ds(i * LANES, LANES)] = (
                    jnp.clip(f.astype(jnp.int32), 0, NUM_LEAD - 1)
                    + (wid * (SUBREP * TABLE_PAD))
                    + rep_pat
                )
        table_read.wait()
        rep_writes = []
        for r in range(SUBREP):
            rep_writes.append(pltpu.async_copy(
                tstage,
                reps_hbm.at[pl.ds((wid * SUBREP + r) * TABLE_PAD, TABLE_PAD)],
                rsem,
            ))
        for w in rep_writes:
            w.wait()

        gathers = [None] * n_ch
        writes = [None] * n_ch

        def gather(j):
            return pltpu.async_copy(
                reps_hbm.at[idx_v.at[j]], bufs[j % NBUF], gsems[j % NBUF]
            )

        for j in range(min(NBUF, n_ch)):
            gathers[j] = gather(j)
        waited = set()
        for j in range(n_ch):
            if j >= NBUF:
                writes[j - NBUF].wait()
                waited.add(j - NBUF)
                gathers[j] = gather(j)
            gathers[j].wait()
            writes[j] = pltpu.async_copy(
                bufs[j % NBUF],
                out_hbm.at[pl.ds(base + j * CHUNK, CHUNK)],
                wsems[j % NBUF],
            )
        for j in range(n_ch):
            if j not in waited:
                writes[j].wait()

    return gather_k


def kernel(lead_hours, lead_embed, W1, b1, W2, b2):
    B = lead_hours.shape[0]
    table = _mlp_table(
        jnp.pad(lead_embed, ((0, TABLE_PAD - NUM_LEAD), (0, 0))), W1, b1, W2, b2
    )
    out, _ = _make_gather(B)(lead_hours.astype(jnp.int32), table)
    return out

# --- scband reference (transcript-rebuilt; emitter-appended) ---
"""Pipeline reference for scband-lead-time-embedding-87479893885415 (READ-ONLY COPY).

The authoritative reference and input builder live on the scoring server;
editing this copy changes nothing except your own understanding.
"""

import jax, jax.numpy as jnp
import numpy as np

DIM = 256
MAX_LEAD = 240
RES = 6
NUM_LEAD = MAX_LEAD // RES + 1  # 41
B = 16384

def setup_inputs(seed: int = 0) -> dict:
    key = jax.random.key(seed)
    k1, k2, k3, k4, k5, k6 = jax.random.split(key, 6)
    lead_hours = jax.random.randint(k1, (B,), 0, 240, dtype=jnp.int64 if jax.config.jax_enable_x64 else jnp.int32).astype(jnp.int32)
    lead_embed = jax.random.normal(k2, (NUM_LEAD, DIM), dtype=jnp.float32)
    W1 = jax.random.normal(k3, (DIM, DIM * 2), dtype=jnp.float32) * (1.0 / np.sqrt(DIM))
    b1 = jnp.zeros((DIM * 2,), dtype=jnp.float32)
    W2 = jax.random.normal(k4, (DIM * 2, DIM), dtype=jnp.float32) * (1.0 / np.sqrt(DIM * 2))
    b2 = jnp.zeros((DIM,), dtype=jnp.float32)
    return {"lead_hours": lead_hours, "lead_embed": lead_embed, "W1": W1, "b1": b1, "W2": W2, "b2": b2}

def reference(lead_hours, lead_embed, W1, b1, W2, b2):
    # idx = (lead_hours / temporal_resolution).long().clamp(0, num_lead_times - 1)
    idx = jnp.clip((lead_hours.astype(jnp.float32) / RES).astype(jnp.int32), 0, NUM_LEAD - 1)
    emb = jnp.take(lead_embed, idx, axis=0)  # [B, dim] gather
    h = jax.nn.gelu(emb @ W1 + b1, approximate=False)  # torch nn.GELU default is exact erf
    out = h @ W2 + b2
    return out

if __name__ == "__main__":
    import jax
    _d = setup_inputs()
    print(jax.jit(kernel)(*tuple(_d.values())))

</pallas_src>

<mosaic_0001>
#map = affine_map<(d0, d1) -> (0)>
#map1 = affine_map<(d0, d1) -> (0, 0)>
module attributes {stable_mosaic.version = 14 : i64} {
  func.func @gather_k(%arg0: i32, %arg1: i32, %arg2: memref<16384xi32, #tpu.memory_space<hbm>>, %arg3: memref<48x256xf32, #tpu.memory_space<hbm>>, %arg4: memref<16384x256xf32, #tpu.memory_space<hbm>>, %arg5: memref<3072x256xf32, #tpu.memory_space<hbm>>, %arg6: memref<48x256xf32, #tpu.memory_space<vmem>>, %arg7: memref<4x128xi32, #tpu.memory_space<vmem>>, %arg8: memref<128x256xf32, #tpu.memory_space<vmem>>, %arg9: memref<128x256xf32, #tpu.memory_space<vmem>>, %arg10: memref<128x256xf32, #tpu.memory_space<vmem>>, %arg11: memref<!tpu.dma_semaphore, #tpu.memory_space<semaphore_mem>>, %arg12: memref<!tpu.dma_semaphore, #tpu.memory_space<semaphore_mem>>, %arg13: memref<!tpu.dma_semaphore, #tpu.memory_space<semaphore_mem>>, %arg14: memref<!tpu.dma_semaphore, #tpu.memory_space<semaphore_mem>>, %arg15: memref<!tpu.dma_semaphore, #tpu.memory_space<semaphore_mem>>, %arg16: memref<!tpu.dma_semaphore, #tpu.memory_space<semaphore_mem>>, %arg17: memref<!tpu.dma_semaphore, #tpu.memory_space<semaphore_mem>>, %arg18: memref<!tpu.dma_semaphore, #tpu.memory_space<semaphore_mem>>) attributes {dimension_semantics = [#tpu.dimension_semantics<core_parallel>, #tpu.dimension_semantics<subcore_parallel>], iteration_bounds = array<i64: 2, 16>, scalar_prefetch = 0 : i64, scratch_operands = 13 : i64, tpu.core_type = #tpu.core_type<sc_vector_subcore>, window_params = [{transform_indices = #map}, {transform_indices = #map1}, {transform_indices = #map1}, {transform_indices = #map1}]} {
    %mul3A = arith.constant 2 : i32
    %mul3A_0 = arith.muli %arg1, %mul3A : i32
    %add3A = arith.addi %mul3A_0, %arg0 : i32
    %mul3A_1 = arith.constant 4 : i32
    %mul3A_2 = arith.muli %add3A, %mul3A_1 : i32
    %mul3A_3 = arith.constant 128 : i32
    %mul3A_4 = arith.muli %mul3A_2, %mul3A_3 : i32
    tpu.enqueue_dma source(%arg3 : memref<48x256xf32, #tpu.memory_space<hbm>>) target(%arg6 : memref<48x256xf32, #tpu.memory_space<vmem>>) target_semaphore(%arg18 : memref<!tpu.dma_semaphore, #tpu.memory_space<semaphore_mem>>)
    %add3A_5 = arith.constant 0 : i32
    %add3A_6 = arith.addi %mul3A_4, %add3A_5 : i32
    %run_scoped3A = arith.constant 0 : i32
    "tpu.region"() ({
      %run_scoped3A_1000 = tpu.sem_alloc : memref<!tpu.dma_semaphore, #tpu.memory_space<semaphore_mem>>
      %dma_start3A_1001 = arith.constant 0 : i32
      %dma_start3A_1002 = tpu.memref_slice %arg7[%run_scoped3A, %dma_start3A_1001] : memref<4x128xi32, #tpu.memory_space<vmem>> -> memref<1x128xi32, #tpu.memory_space<vmem>>
      %dma_start3A_1003 = tpu.memref_squeeze %dma_start3A_1002 : memref<1x128xi32, #tpu.memory_space<vmem>> -> memref<128xi32, #tpu.memory_space<vmem>>
      %dma_start3A_1004 = tpu.memref_slice %arg2[%add3A_6] : memref<16384xi32, #tpu.memory_space<hbm>> -> memref<128xi32, #tpu.memory_space<hbm>>
      %dma_start3A_1005 = arith.constant 0 : i32
      %dma_start3A_1006 = tpu.memref_slice %arg7[%run_scoped3A, %dma_start3A_1005] : memref<4x128xi32, #tpu.memory_space<vmem>> -> memref<1x128xi32, #tpu.memory_space<vmem>>
      %dma_start3A_1007 = tpu.memref_squeeze %dma_start3A_1006 : memref<1x128xi32, #tpu.memory_space<vmem>> -> memref<128xi32, #tpu.memory_space<vmem>>
      %dma_start3A_1008 = tpu.memref_slice %arg2[%add3A_6] : memref<16384xi32, #tpu.memory_space<hbm>> -> memref<128xi32, #tpu.memory_space<hbm>>
      tpu.enqueue_dma source(%dma_start3A_1008 : memref<128xi32, #tpu.memory_space<hbm>>) target(%dma_start3A_1007 : memref<128xi32, #tpu.memory_space<vmem>>) target_semaphore(%run_scoped3A_1000 : memref<!tpu.dma_semaphore, #tpu.memory_space<semaphore_mem>>)
      %dma_wait3A_1009 = arith.constant 0 : i32
      %dma_wait3A_1010 = tpu.memref_slice %arg7[%run_scoped3A, %dma_wait3A_1009] : memref<4x128xi32, #tpu.memory_space<vmem>> -> memref<1x128xi32, #tpu.memory_space<vmem>>
      %dma_wait3A_1011 = tpu.memref_squeeze %dma_wait3A_1010 : memref<1x128xi32, #tpu.memory_space<vmem>> -> memref<128xi32, #tpu.memory_space<vmem>>
      %dma_wait3A_1012 = tpu.memref_slice %arg2[%add3A_6] : memref<16384xi32, #tpu.memory_space<hbm>> -> memref<128xi32, #tpu.memory_space<hbm>>
      %dma_wait3A_1013 = arith.constant 0 : i32
      %dma_wait3A_1014 = tpu.memref_slice %arg7[%run_scoped3A, %dma_wait3A_1013] : memref<4x128xi32, #tpu.memory_space<vmem>> -> memref<1x128xi32, #tpu.memory_space<vmem>>
      %dma_wait3A_1015 = tpu.memref_squeeze %dma_wait3A_1014 : memref<1x128xi32, #tpu.memory_space<vmem>> -> memref<128xi32, #tpu.memory_space<vmem>>
      %dma_wait3A_1016 = tpu.memref_slice %arg2[%add3A_6] : memref<16384xi32, #tpu.memory_space<hbm>> -> memref<128xi32, #tpu.memory_space<hbm>>
      tpu.wait_dma2 semaphore(%run_scoped3A_1000 : memref<!tpu.dma_semaphore, #tpu.memory_space<semaphore_mem>>) src(%dma_wait3A_1016 : memref<128xi32, #tpu.memory_space<hbm>>) dst(%dma_wait3A_1015 : memref<128xi32, #tpu.memory_space<vmem>>)
      tpu.yield
    }) : () -> ()
    %add3A_7 = arith.constant 128 : i32
    %add3A_8 = arith.addi %mul3A_4, %add3A_7 : i32
    %run_scoped3A_9 = arith.constant 1 : i32
    "tpu.region"() ({
      %run_scoped3A_1000 = tpu.sem_alloc : memref<!tpu.dma_semaphore, #tpu.memory_space<semaphore_mem>>
      %dma_start3A_1001 = arith.constant 0 : i32
      %dma_start3A_1002 = tpu.memref_slice %arg7[%run_scoped3A_9, %dma_start3A_1001] : memref<4x128xi32, #tpu.memory_space<vmem>> -> memref<1x128xi32, #tpu.memory_space<vmem>>
      %dma_start3A_1003 = tpu.memref_squeeze %dma_start3A_1002 : memref<1x128xi32, #tpu.memory_space<vmem>> -> memref<128xi32, #tpu.memory_space<vmem>>
      %dma_start3A_1004 = tpu.memref_slice %arg2[%add3A_8] : memref<16384xi32, #tpu.memory_space<hbm>> -> memref<128xi32, #tpu.memory_space<hbm>>
      %dma_start3A_1005 = arith.constant 0 : i32
      %dma_start3A_1006 = tpu.memref_slice %arg7[%run_scoped3A_9, %dma_start3A_1005] : memref<4x128xi32, #tpu.memory_space<vmem>> -> memref<1x128xi32, #tpu.memory_space<vmem>>
      %dma_start3A_1007 = tpu.memref_squeeze %dma_start3A_1006 : memref<1x128xi32, #tpu.memory_space<vmem>> -> memref<128xi32, #tpu.memory_space<vmem>>
      %dma_start3A_1008 = tpu.memref_slice %arg2[%add3A_8] : memref<16384xi32, #tpu.memory_space<hbm>> -> memref<128xi32, #tpu.memory_space<hbm>>
      tpu.enqueue_dma source(%dma_start3A_1008 : memref<128xi32, #tpu.memory_space<hbm>>) target(%dma_start3A_1007 : memref<128xi32, #tpu.memory_space<vmem>>) target_semaphore(%run_scoped3A_1000 : memref<!tpu.dma_semaphore, #tpu.memory_space<semaphore_mem>>)
      %dma_wait3A_1009 = arith.constant 0 : i32
      %dma_wait3A_1010 = tpu.memref_slice %arg7[%run_scoped3A_9, %dma_wait3A_1009] : memref<4x128xi32, #tpu.memory_space<vmem>> -> memref<1x128xi32, #tpu.memory_space<vmem>>
      %dma_wait3A_1011 = tpu.memref_squeeze %dma_wait3A_1010 : memref<1x128xi32, #tpu.memory_space<vmem>> -> memref<128xi32, #tpu.memory_space<vmem>>
      %dma_wait3A_1012 = tpu.memref_slice %arg2[%add3A_8] : memref<16384xi32, #tpu.memory_space<hbm>> -> memref<128xi32, #tpu.memory_space<hbm>>
      %dma_wait3A_1013 = arith.constant 0 : i32
      %dma_wait3A_1014 = tpu.memref_slice %arg7[%run_scoped3A_9, %dma_wait3A_1013] : memref<4x128xi32, #tpu.memory_space<vmem>> -> memref<1x128xi32, #tpu.memory_space<vmem>>
      %dma_wait3A_1015 = tpu.memref_squeeze %dma_wait3A_1014 : memref<1x128xi32, #tpu.memory_space<vmem>> -> memref<128xi32, #tpu.memory_space<vmem>>
      %dma_wait3A_1016 = tpu.memref_slice %arg2[%add3A_8] : memref<16384xi32, #tpu.memory_space<hbm>> -> memref<128xi32, #tpu.memory_space<hbm>>
      tpu.wait_dma2 semaphore(%run_scoped3A_1000 : memref<!tpu.dma_semaphore, #tpu.memory_space<semaphore_mem>>) src(%dma_wait3A_1016 : memref<128xi32, #tpu.memory_space<hbm>>) dst(%dma_wait3A_1015 : memref<128xi32, #tpu.memory_space<vmem>>)
      tpu.yield
    }) : () -> ()
    %add3A_10 = arith.constant 256 : i32
    %add3A_11 = arith.addi %mul3A_4, %add3A_10 : i32
    %run_scoped3A_12 = arith.constant 2 : i32
    "tpu.region"() ({
      %run_scoped3A_1000 = tpu.sem_alloc : memref<!tpu.dma_semaphore, #tpu.memory_space<semaphore_mem>>
      %dma_start3A_1001 = arith.constant 0 : i32
      %dma_start3A_1002 = tpu.memref_slice %arg7[%run_scoped3A_12, %dma_start3A_1001] : memref<4x128xi32, #tpu.memory_space<vmem>> -> memref<1x128xi32, #tpu.memory_space<vmem>>
      %dma_start3A_1003 = tpu.memref_squeeze %dma_start3A_1002 : memref<1x128xi32, #tpu.memory_space<vmem>> -> memref<128xi32, #tpu.memory_space<vmem>>
      %dma_start3A_1004 = tpu.memref_slice %arg2[%add3A_11] : memref<16384xi32, #tpu.memory_space<hbm>> -> memref<128xi32, #tpu.memory_space<hbm>>
      %dma_start3A_1005 = arith.constant 0 : i32
      %dma_start3A_1006 = tpu.memref_slice %arg7[%run_scoped3A_12, %dma_start3A_1005] : memref<4x128xi32, #tpu.memory_space<vmem>> -> memref<1x128xi32, #tpu.memory_space<vmem>>
      %dma_start3A_1007 = tpu.memref_squeeze %dma_start3A_1006 : memref<1x128xi32, #tpu.memory_space<vmem>> -> memref<128xi32, #tpu.memory_space<vmem>>
      %dma_start3A_1008 = tpu.memref_slice %arg2[%add3A_11] : memref<16384xi32, #tpu.memory_space<hbm>> -> memref<128xi32, #tpu.memory_space<hbm>>
      tpu.enqueue_dma source(%dma_start3A_1008 : memref<128xi32, #tpu.memory_space<hbm>>) target(%dma_start3A_1007 : memref<128xi32, #tpu.memory_space<vmem>>) target_semaphore(%run_scoped3A_1000 : memref<!tpu.dma_semaphore, #tpu.memory_space<semaphore_mem>>)
      %dma_wait3A_1009 = arith.constant 0 : i32
      %dma_wait3A_1010 = tpu.memref_slice %arg7[%run_scoped3A_12, %dma_wait3A_1009] : memref<4x128xi32, #tpu.memory_space<vmem>> -> memref<1x128xi32, #tpu.memory_space<vmem>>
      %dma_wait3A_1011 = tpu.memref_squeeze %dma_wait3A_1010 : memref<1x128xi32, #tpu.memory_space<vmem>> -> memref<128xi32, #tpu.memory_space<vmem>>
      %dma_wait3A_1012 = tpu.memref_slice %arg2[%add3A_11] : memref<16384xi32, #tpu.memory_space<hbm>> -> memref<128xi32, #tpu.memory_space<hbm>>
      %dma_wait3A_1013 = arith.constant 0 : i32
      %dma_wait3A_1014 = tpu.memref_slice %arg7[%run_scoped3A_12, %dma_wait3A_1013] : memref<4x128xi32, #tpu.memory_space<vmem>> -> memref<1x128xi32, #tpu.memory_space<vmem>>
      %dma_wait3A_1015 = tpu.memref_squeeze %dma_wait3A_1014 : memref<1x128xi32, #tpu.memory_space<vmem>> -> memref<128xi32, #tpu.memory_space<vmem>>
      %dma_wait3A_1016 = tpu.memref_slice %arg2[%add3A_11] : memref<16384xi32, #tpu.memory_space<hbm>> -> memref<128xi32, #tpu.memory_space<hbm>>
      tpu.wait_dma2 semaphore(%run_scoped3A_1000 : memref<!tpu.dma_semaphore, #tpu.memory_space<semaphore_mem>>) src(%dma_wait3A_1016 : memref<128xi32, #tpu.memory_space<hbm>>) dst(%dma_wait3A_1015 : memref<128xi32, #tpu.memory_space<vmem>>)
      tpu.yield
    }) : () -> ()
    %add3A_13 = arith.constant 384 : i32
    %add3A_14 = arith.addi %mul3A_4, %add3A_13 : i32
    %run_scoped3A_15 = arith.constant 3 : i32
    "tpu.region"() ({
      %run_scoped3A_1000 = tpu.sem_alloc : memref<!tpu.dma_semaphore, #tpu.memory_space<semaphore_mem>>
      %dma_start3A_1001 = arith.constant 0 : i32
      %dma_start3A_1002 = tpu.memref_slice %arg7[%run_scoped3A_15, %dma_start3A_1001] : memref<4x128xi32, #tpu.memory_space<vmem>> -> memref<1x128xi32, #tpu.memory_space<vmem>>
      %dma_start3A_1003 = tpu.memref_squeeze %dma_start3A_1002 : memref<1x128xi32, #tpu.memory_space<vmem>> -> memref<128xi32, #tpu.memory_space<vmem>>
      %dma_start3A_1004 = tpu.memref_slice %arg2[%add3A_14] : memref<16384xi32, #tpu.memory_space<hbm>> -> memref<128xi32, #tpu.memory_space<hbm>>
      %dma_start3A_1005 = arith.constant 0 : i32
      %dma_start3A_1006 = tpu.memref_slice %arg7[%run_scoped3A_15, %dma_start3A_1005] : memref<4x128xi32, #tpu.memory_space<vmem>> -> memref<1x128xi32, #tpu.memory_space<vmem>>
      %dma_start3A_1007 = tpu.memref_squeeze %dma_start3A_1006 : memref<1x128xi32, #tpu.memory_space<vmem>> -> memref<128xi32, #tpu.memory_space<vmem>>
      %dma_start3A_1008 = tpu.memref_slice %arg2[%add3A_14] : memref<16384xi32, #tpu.memory_space<hbm>> -> memref<128xi32, #tpu.memory_space<hbm>>
      tpu.enqueue_dma source(%dma_start3A_1008 : memref<128xi32, #tpu.memory_space<hbm>>) target(%dma_start3A_1007 : memref<128xi32, #tpu.memory_space<vmem>>) target_semaphore(%run_scoped3A_1000 : memref<!tpu.dma_semaphore, #tpu.memory_space<semaphore_mem>>)
      %dma_wait3A_1009 = arith.constant 0 : i32
      %dma_wait3A_1010 = tpu.memref_slice %arg7[%run_scoped3A_15, %dma_wait3A_1009] : memref<4x128xi32, #tpu.memory_space<vmem>> -> memref<1x128xi32, #tpu.memory_space<vmem>>
      %dma_wait3A_1011 = tpu.memref_squeeze %dma_wait3A_1010 : memref<1x128xi32, #tpu.memory_space<vmem>> -> memref<128xi32, #tpu.memory_space<vmem>>
      %dma_wait3A_1012 = tpu.memref_slice %arg2[%add3A_14] : memref<16384xi32, #tpu.memory_space<hbm>> -> memref<128xi32, #tpu.memory_space<hbm>>
      %dma_wait3A_1013 = arith.constant 0 : i32
      %dma_wait3A_1014 = tpu.memref_slice %arg7[%run_scoped3A_15, %dma_wait3A_1013] : memref<4x128xi32, #tpu.memory_space<vmem>> -> memref<1x128xi32, #tpu.memory_space<vmem>>
      %dma_wait3A_1015 = tpu.memref_squeeze %dma_wait3A_1014 : memref<1x128xi32, #tpu.memory_space<vmem>> -> memref<128xi32, #tpu.memory_space<vmem>>
      %dma_wait3A_1016 = tpu.memref_slice %arg2[%add3A_14] : memref<16384xi32, #tpu.memory_space<hbm>> -> memref<128xi32, #tpu.memory_space<hbm>>
      tpu.wait_dma2 semaphore(%run_scoped3A_1000 : memref<!tpu.dma_semaphore, #tpu.memory_space<semaphore_mem>>) src(%dma_wait3A_1016 : memref<128xi32, #tpu.memory_space<hbm>>) dst(%dma_wait3A_1015 : memref<128xi32, #tpu.memory_space<vmem>>)
      tpu.yield
    }) : () -> ()
    %iota3A = tpu.iota {dimensions = array<i32: 0>} : vector<16xi32>
    %and3A = arith.constant 1 : i32
    %and3A_16 = vector.broadcast %and3A : i32 to vector<16xi32>
    %and3A_17 = arith.andi %iota3A, %and3A_16 : vector<16xi32>
    %mul3A_18 = arith.constant 48 : i32
    %mul3A_19 = vector.broadcast %mul3A_18 : i32 to vector<16xi32>
    %mul3A_20 = arith.muli %and3A_17, %mul3A_19 : vector<16xi32>
    %get3A = arith.constant 0 : i32
    %get3A_21 = arith.index_cast %get3A : i32 to index
    %get3A_22 = arith.constant 0 : index
    %get3A_23 = tpu.vector_load %arg7[%get3A_21, %get3A_22] {strides = array<i32>} : memref<4x128xi32, #tpu.memory_space<vmem>>, vector<1x16xi32>,
    %get3A_24 = vector.shape_cast %get3A_23 : vector<1x16xi32> to vector<16xi32>
    %convert_element_type3A = arith.sitofp %get3A_24 : vector<16xi32> to vector<16xf32>
    %div3A = arith.constant 6.000000e+00 : f32
    %div3A_25 = vector.broadcast %div3A : f32 to vector<16xf32>
    %div3A_26 = arith.divf %convert_element_type3A, %div3A_25 : vector<16xf32>
    %convert_element_type3A_27 = arith.fptosi %div3A_26 : vector<16xf32> to vector<16xi32>
    %jit3A = arith.constant 0 : i32
    %jit3A_28 = arith.constant 40 : i32
    %max3A = vector.broadcast %jit3A : i32 to vector<16xi32>
    %max3A_29 = arith.maxsi %max3A, %convert_element_type3A_27 : vector<16xi32>
    %min3A = vector.broadcast %jit3A_28 : i32 to vector<16xi32>
    %min3A_30 = arith.minsi %min3A, %max3A_29 : vector<16xi32>
    %mul3A_31 = arith.constant 96 : i32
    %mul3A_32 = arith.muli %add3A, %mul3A_31 : i32
    %add3A_33 = vector.broadcast %mul3A_32 : i32 to vector<16xi32>
    %add3A_34 = arith.addi %min3A_30, %add3A_33 : vector<16xi32>
    %add3A_35 = arith.addi %add3A_34, %mul3A_20 : vector<16xi32>
    %swap3A = arith.constant 0 : i32
    %swap3A_36 = arith.index_cast %swap3A : i32 to index
    %swap3A_37 = arith.constant 0 : index
    %swap3A_38 = tpu.vector_load %arg7[%swap3A_36, %swap3A_37] {strides = array<i32>} : memref<4x128xi32, #tpu.memory_space<vmem>>, vector<1x16xi32>,
    %swap3A_39 = vector.shape_cast %swap3A_38 : vector<1x16xi32> to vector<16xi32>
    %swap3A_40 = vector.shape_cast %add3A_35 : vector<16xi32> to vector<1x16xi32>
    tpu.vector_store %arg7[%swap3A_36, %swap3A_37], %swap3A_40 {strides = array<i32>} : memref<4x128xi32, #tpu.memory_space<vmem>>, vector<1x16xi32>,
    %get3A_41 = arith.constant 0 : i32
    %get3A_42 = arith.index_cast %get3A_41 : i32 to index
    %get3A_43 = arith.constant 16 : index
    %get3A_44 = tpu.vector_load %arg7[%get3A_42, %get3A_43] {strides = array<i32>} : memref<4x128xi32, #tpu.memory_space<vmem>>, vector<1x16xi32>,
    %get3A_45 = vector.shape_cast %get3A_44 : vector<1x16xi32> to vector<16xi32>
    %convert_element_type3A_46 = arith.sitofp %get3A_45 : vector<16xi32> to vector<16xf32>
    %div3A_47 = arith.constant 6.000000e+00 : f32
    %div3A_48 = vector.broadcast %div3A_47 : f32 to vector<16xf32>
    %div3A_49 = arith.divf %convert_element_type3A_46, %div3A_48 : vector<16xf32>
    %convert_element_type3A_50 = arith.fptosi %div3A_49 : vector<16xf32> to vector<16xi32>
    %jit3A_51 = arith.constant 0 : i32
    %jit3A_52 = arith.constant 40 : i32
    %max3A_53 = vector.broadcast %jit3A_51 : i32 to vector<16xi32>
    %max3A_54 = arith.maxsi %max3A_53, %convert_element_type3A_50 : vector<16xi32>
    %min3A_55 = vector.broadcast %jit3A_52 : i32 to vector<16xi32>
    %min3A_56 = arith.minsi %min3A_55, %max3A_54 : vector<16xi32>
    %mul3A_57 = arith.constant 96 : i32
    %mul3A_58 = arith.muli %add3A, %mul3A_57 : i32
    %add3A_59 = vector.broadcast %mul3A_58 : i32 to vector<16xi32>
    %add3A_60 = arith.addi %min3A_56, %add3A_59 : vector<16xi32>
    %add3A_61 = arith.addi %add3A_60, %mul3A_20 : vector<16xi32>
    %swap3A_62 = arith.constant 0 : i32
    %swap3A_63 = arith.index_cast %swap3A_62 : i32 to index
    %swap3A_64 = arith.constant 16 : index
    %swap3A_65 = tpu.vector_load %arg7[%swap3A_63, %swap3A_64] {strides = array<i32>} : memref<4x128xi32, #tpu.memory_space<vmem>>, vector<1x16xi32>,
    %swap3A_66 = vector.shape_cast %swap3A_65 : vector<1x16xi32> to vector<16xi32>
    %swap3A_67 = vector.shape_cast %add3A_61 : vector<16xi32> to vector<1x16xi32>
    tpu.vector_store %arg7[%swap3A_63, %swap3A_64], %swap3A_67 {strides = array<i32>} : memref<4x128xi32, #tpu.memory_space<vmem>>, vector<1x16xi32>,
    %get3A_68 = arith.constant 0 : i32
    %get3A_69 = arith.index_cast %get3A_68 : i32 to index
    %get3A_70 = arith.constant 32 : index
    %get3A_71 = tpu.vector_load %arg7[%get3A_69, %get3A_70] {strides = array<i32>} : memref<4x128xi32, #tpu.memory_space<vmem>>, vector<1x16xi32>,
    %get3A_72 = vector.shape_cast %get3A_71 : vector<1x16xi32> to vector<16xi32>
    %convert_element_type3A_73 = arith.sitofp %get3A_72 : vector<16xi32> to vector<16xf32>
    %div3A_74 = arith.constant 6.000000e+00 : f32
    %div3A_75 = vector.broadcast %div3A_74 : f32 to vector<16xf32>
    %div3A_76 = arith.divf %convert_element_type3A_73, %div3A_75 : vector<16xf32>
    %convert_element_type3A_77 = arith.fptosi %div3A_76 : vector<16xf32> to vector<16xi32>
    %jit3A_78 = arith.constant 0 : i32
    %jit3A_79 = arith.constant 40 : i32
    %max3A_80 = vector.broadcast %jit3A_78 : i32 to vector<16xi32>
    %max3A_81 = arith.maxsi %max3A_80, %convert_element_type3A_77 : vector<16xi32>
    %min3A_82 = vector.broadcast %jit3A_79 : i32 to vector<16xi32>
    %min3A_83 = arith.minsi %min3A_82, %max3A_81 : vector<16xi32>
    %mul3A_84 = arith.constant 96 : i32
    %mul3A_85 = arith.muli %add3A, %mul3A_84 : i32
    %add3A_86 = vector.broadcast %mul3A_85 : i32 to vector<16xi32>
    %add3A_87 = arith.addi %min3A_83, %add3A_86 : vector<16xi32>
    %add3A_88 = arith.addi %add3A_87, %mul3A_20 : vector<16xi32>
    %swap3A_89 = arith.constant 0 : i32
    %swap3A_90 = arith.index_cast %swap3A_89 : i32 to index
    %swap3A_91 = arith.constant 32 : index
    %swap3A_92 = tpu.vector_load %arg7[%swap3A_90, %swap3A_91] {strides = array<i32>} : memref<4x128xi32, #tpu.memory_space<vmem>>, vector<1x16xi32>,
    %swap3A_93 = vector.shape_cast %swap3A_92 : vector<1x16xi32> to vector<16xi32>
    %swap3A_94 = vector.shape_cast %add3A_88 : vector<16xi32> to vector<1x16xi32>
    tpu.vector_store %arg7[%swap3A_90, %swap3A_91], %swap3A_94 {strides = array<i32>} : memref<4x128xi32, #tpu.memory_space<vmem>>, vector<1x16xi32>,
    %get3A_95 = arith.constant 0 : i32
    %get3A_96 = arith.index_cast %get3A_95 : i32 to index
    %get3A_97 = arith.constant 48 : index
    %get3A_98 = tpu.vector_load %arg7[%get3A_96, %get3A_97] {strides = array<i32>} : memref<4x128xi32, #tpu.memory_space<vmem>>, vector<1x16xi32>,
    %get3A_99 = vector.shape_cast %get3A_98 : vector<1x16xi32> to vector<16xi32>
    %convert_element_type3A_100 = arith.sitofp %get3A_99 : vector<16xi32> to vector<16xf32>
    %div3A_101 = arith.constant 6.000000e+00 : f32
    %div3A_102 = vector.broadcast %div3A_101 : f32 to vector<16xf32>
    %div3A_103 = arith.divf %convert_element_type3A_100, %div3A_102 : vector<16xf32>
    %convert_element_type3A_104 = arith.fptosi %div3A_103 : vector<16xf32> to vector<16xi32>
    %jit3A_105 = arith.constant 0 : i32
    %jit3A_106 = arith.constant 40 : i32
    %max3A_107 = vector.broadcast %jit3A_105 : i32 to vector<16xi32>
    %max3A_108 = arith.maxsi %max3A_107, %convert_element_type3A_104 : vector<16xi32>
    %min3A_109 = vector.broadcast %jit3A_106 : i32 to vector<16xi32>
    %min3A_110 = arith.minsi %min3A_109, %max3A_108 : vector<16xi32>
    %mul3A_111 = arith.constant 96 : i32
    %mul3A_112 = arith.muli %add3A, %mul3A_111 : i32
    %add3A_113 = vector.broadcast %mul3A_112 : i32 to vector<16xi32>
    %add3A_114 = arith.addi %min3A_110, %add3A_113 : vector<16xi32>
    %add3A_115 = arith.addi %add3A_114, %mul3A_20 : vector<16xi32>
    %swap3A_116 = arith.constant 0 : i32
    %swap3A_117 = arith.index_cast %swap3A_116 : i32 to index
    %swap3A_118 = arith.constant 48 : index
    %swap3A_119 = tpu.vector_load %arg7[%swap3A_117, %swap3A_118] {strides = array<i32>} : memref<4x128xi32, #tpu.memory_space<vmem>>, vector<1x16xi32>,
    %swap3A_120 = vector.shape_cast %swap3A_119 : vector<1x16xi32> to vector<16xi32>
    %swap3A_121 = vector.shape_cast %add3A_115 : vector<16xi32> to vector<1x16xi32>
    tpu.vector_store %arg7[%swap3A_117, %swap3A_118], %swap3A_121 {strides = array<i32>} : memref<4x128xi32, #tpu.memory_space<vmem>>, vector<1x16xi32>,
    %get3A_122 = arith.constant 0 : i32
    %get3A_123 = arith.index_cast %get3A_122 : i32 to index
    %get3A_124 = arith.constant 64 : index
    %get3A_125 = tpu.vector_load %arg7[%get3A_123, %get3A_124] {strides = array<i32>} : memref<4x128xi32, #tpu.memory_space<vmem>>, vector<1x16xi32>,
    %get3A_126 = vector.shape_cast %get3A_125 : vector<1x16xi32> to vector<16xi32>
    %convert_element_type3A_127 = arith.sitofp %get3A_126 : vector<16xi32> to vector<16xf32>
    %div3A_128 = arith.constant 6.000000e+00 : f32
    %div3A_129 = vector.broadcast %div3A_128 : f32 to vector<16xf32>
    %div3A_130 = arith.divf %convert_element_type3A_127, %div3A_129 : vector<16xf32>
    %convert_element_type3A_131 = arith.fptosi %div3A_130 : vector<16xf32> to vector<16xi32>
    %jit3A_132 = arith.constant 0 : i32
    %jit3A_133 = arith.constant 40 : i32
    %max3A_134 = vector.broadcast %jit3A_132 : i32 to vector<16xi32>
    %max3A_135 = arith.maxsi %max3A_134, %convert_element_type3A_131 : vector<16xi32>
    %min3A_136 = vector.broadcast %jit3A_133 : i32 to vector<16xi32>
    %min3A_137 = arith.minsi %min3A_136, %max3A_135 : vector<16xi32>
    %mul3A_138 = arith.constant 96 : i32
    %mul3A_139 = arith.muli %add3A, %mul3A_138 : i32
    %add3A_140 = vector.broadcast %mul3A_139 : i32 to vector<16xi32>
    %add3A_141 = arith.addi %min3A_137, %add3A_140 : vector<16xi32>
    %add3A_142 = arith.addi %add3A_141, %mul3A_20 : vector<16xi32>
    %swap3A_143 = arith.constant 0 : i32
    %swap3A_144 = arith.index_cast %swap3A_143 : i32 to index
    %swap3A_145 = arith.constant 64 : index
    %swap3A_146 = tpu.vector_load %arg7[%swap3A_144, %swap3A_145] {strides = array<i32>} : memref<4x128xi32, #tpu.memory_space<vmem>>, vector<1x16xi32>,
    %swap3A_147 = vector.shape_cast %swap3A_146 : vector<1x16xi32> to vector<16xi32>
    %swap3A_148 = vector.shape_cast %add3A_142 : vector<16xi32> to vector<1x16xi32>
    tpu.vector_store %arg7[%swap3A_144, %swap3A_145], %swap3A_148 {strides = array<i32>} : memref<4x128xi32, #tpu.memory_space<vmem>>, vector<1x16xi32>,
    %get3A_149 = arith.constant 0 : i32
    %get3A_150 = arith.index_cast %get3A_149 : i32 to index
    %get3A_151 = arith.constant 80 : index
    %get3A_152 = tpu.vector_load %arg7[%get3A_150, %get3A_151] {strides = array<i32>} : memref<4x128xi32, #tpu.memory_space<vmem>>, vector<1x16xi32>,
    %get3A_153 = vector.shape_cast %get3A_152 : vector<1x16xi32> to vector<16xi32>
    %convert_element_type3A_154 = arith.sitofp %get3A_153 : vector<16xi32> to vector<16xf32>
    %div3A_155 = arith.constant 6.000000e+00 : f32
    %div3A_156 = vector.broadcast %div3A_155 : f32 to vector<16xf32>
    %div3A_157 = arith.divf %convert_element_type3A_154, %div3A_156 : vector<16xf32>
    %convert_element_type3A_158 = arith.fptosi %div3A_157 : vector<16xf32> to vector<16xi32>
    %jit3A_159 = arith.constant 0 : i32
    %jit3A_160 = arith.constant 40 : i32
    %max3A_161 = vector.broadcast %jit3A_159 : i32 to vector<16xi32>
    %max3A_162 = arith.maxsi %max3A_161, %convert_element_type3A_158 : vector<16xi32>
    %min3A_163 = vector.broadcast %jit3A_160 : i32 to vector<16xi32>
    %min3A_164 = arith.minsi %min3A_163, %max3A_162 : vector<16xi32>
    %mul3A_165 = arith.constant 96 : i32
    %mul3A_166 = arith.muli %add3A, %mul3A_165 : i32
    %add3A_167 = vector.broadcast %mul3A_166 : i32 to vector<16xi32>
    %add3A_168 = arith.addi %min3A_164, %add3A_167 : vector<16xi32>
    %add3A_169 = arith.addi %add3A_168, %mul3A_20 : vector<16xi32>
    %swap3A_170 = arith.constant 0 : i32
    %swap3A_171 = arith.index_cast %swap3A_170 : i32 to index
    %swap3A_172 = arith.constant 80 : index
    %swap3A_173 = tpu.vector_load %arg7[%swap3A_171, %swap3A_172] {strides = array<i32>} : memref<4x128xi32, #tpu.memory_space<vmem>>, vector<1x16xi32>,
    %swap3A_174 = vector.shape_cast %swap3A_173 : vector<1x16xi32> to vector<16xi32>
    %swap3A_175 = vector.shape_cast %add3A_169 : vector<16xi32> to vector<1x16xi32>
    tpu.vector_store %arg7[%swap3A_171, %swap3A_172], %swap3A_175 {strides = array<i32>} : memref<4x128xi32, #tpu.memory_space<vmem>>, vector<1x16xi32>,
    %get3A_176 = arith.constant 0 : i32
    %get3A_177 = arith.index_cast %get3A_176 : i32 to index
    %get3A_178 = arith.constant 96 : index
    %get3A_179 = tpu.vector_load %arg7[%get3A_177, %get3A_178] {strides = array<i32>} : memref<4x128xi32, #tpu.memory_space<vmem>>, vector<1x16xi32>,
    %get3A_180 = vector.shape_cast %get3A_179 : vector<1x16xi32> to vector<16xi32>
    %convert_element_type3A_181 = arith.sitofp %get3A_180 : vector<16xi32> to vector<16xf32>
    %div3A_182 = arith.constant 6.000000e+00 : f32
    %div3A_183 = vector.broadcast %div3A_182 : f32 to vector<16xf32>
    %div3A_184 = arith.divf %convert_element_type3A_181, %div3A_183 : vector<16xf32>
    %convert_element_type3A_185 = arith.fptosi %div3A_184 : vector<16xf32> to vector<16xi32>
    %jit3A_186 = arith.constant 0 : i32
    %jit3A_187 = arith.constant 40 : i32
    %max3A_188 = vector.broadcast %jit3A_186 : i32 to vector<16xi32>
    %max3A_189 = arith.maxsi %max3A_188, %convert_element_type3A_185 : vector<16xi32>
    %min3A_190 = vector.broadcast %jit3A_187 : i32 to vector<16xi32>
    %min3A_191 = arith.minsi %min3A_190, %max3A_189 : vector<16xi32>
    %mul3A_192 = arith.constant 96 : i32
    %mul3A_193 = arith.muli %add3A, %mul3A_192 : i32
    %add3A_194 = vector.broadcast %mul3A_193 : i32 to vector<16xi32>
    %add3A_195 = arith.addi %min3A_191, %add3A_194 : vector<16xi32>
    %add3A_196 = arith.addi %add3A_195, %mul3A_20 : vector<16xi32>
    %swap3A_197 = arith.constant 0 : i32
    %swap3A_198 = arith.index_cast %swap3A_197 : i32 to index
    %swap3A_199 = arith.constant 96 : index
    %swap3A_200 = tpu.vector_load %arg7[%swap3A_198, %swap3A_199] {strides = array<i32>} : memref<4x128xi32, #tpu.memory_space<vmem>>, vector<1x16xi32>,
    %swap3A_201 = vector.shape_cast %swap3A_200 : vector<1x16xi32> to vector<16xi32>
    %swap3A_202 = vector.shape_cast %add3A_196 : vector<16xi32> to vector<1x16xi32>
    tpu.vector_store %arg7[%swap3A_198, %swap3A_199], %swap3A_202 {strides = array<i32>} : memref<4x128xi32, #tpu.memory_space<vmem>>, vector<1x16xi32>,
    %get3A_203 = arith.constant 0 : i32
    %get3A_204 = arith.index_cast %get3A_203 : i32 to index
    %get3A_205 = arith.constant 112 : index
    %get3A_206 = tpu.vector_load %arg7[%get3A_204, %get3A_205] {strides = array<i32>} : memref<4x128xi32, #tpu.memory_space<vmem>>, vector<1x16xi32>,
    %get3A_207 = vector.shape_cast %get3A_206 : vector<1x16xi32> to vector<16xi32>
    %convert_element_type3A_208 = arith.sitofp %get3A_207 : vector<16xi32> to vector<16xf32>
    %div3A_209 = arith.constant 6.000000e+00 : f32
    %div3A_210 = vector.broadcast %div3A_209 : f32 to vector<16xf32>
    %div3A_211 = arith.divf %convert_element_type3A_208, %div3A_210 : vector<16xf32>
    %convert_element_type3A_212 = arith.fptosi %div3A_211 : vector<16xf32> to vector<16xi32>
    %jit3A_213 = arith.constant 0 : i32
    %jit3A_214 = arith.constant 40 : i32
    %max3A_215 = vector.broadcast %jit3A_213 : i32 to vector<16xi32>
    %max3A_216 = arith.maxsi %max3A_215, %convert_element_type3A_212 : vector<16xi32>
    %min3A_217 = vector.broadcast %jit3A_214 : i32 to vector<16xi32>
    %min3A_218 = arith.minsi %min3A_217, %max3A_216 : vector<16xi32>
    %mul3A_219 = arith.constant 96 : i32
    %mul3A_220 = arith.muli %add3A, %mul3A_219 : i32
    %add3A_221 = vector.broadcast %mul3A_220 : i32 to vector<16xi32>
    %add3A_222 = arith.addi %min3A_218, %add3A_221 : vector<16xi32>
    %add3A_223 = arith.addi %add3A_222, %mul3A_20 : vector<16xi32>
    %swap3A_224 = arith.constant 0 : i32
    %swap3A_225 = arith.index_cast %swap3A_224 : i32 to index
    %swap3A_226 = arith.constant 112 : index
    %swap3A_227 = tpu.vector_load %arg7[%swap3A_225, %swap3A_226] {strides = array<i32>} : memref<4x128xi32, #tpu.memory_space<vmem>>, vector<1x16xi32>,
    %swap3A_228 = vector.shape_cast %swap3A_227 : vector<1x16xi32> to vector<16xi32>
    %swap3A_229 = vector.shape_cast %add3A_223 : vector<16xi32> to vector<1x16xi32>
    tpu.vector_store %arg7[%swap3A_225, %swap3A_226], %swap3A_229 {strides = array<i32>} : memref<4x128xi32, #tpu.memory_space<vmem>>, vector<1x16xi32>,
    %get3A_230 = arith.constant 1 : i32
    %get3A_231 = arith.index_cast %get3A_230 : i32 to index
    %get3A_232 = arith.constant 0 : index
    %get3A_233 = tpu.vector_load %arg7[%get3A_231, %get3A_232] {strides = array<i32>} : memref<4x128xi32, #tpu.memory_space<vmem>>, vector<1x16xi32>,
    %get3A_234 = vector.shape_cast %get3A_233 : vector<1x16xi32> to vector<16xi32>
    %convert_element_type3A_235 = arith.sitofp %get3A_234 : vector<16xi32> to vector<16xf32>
    %div3A_236 = arith.constant 6.000000e+00 : f32
    %div3A_237 = vector.broadcast %div3A_236 : f32 to vector<16xf32>
    %div3A_238 = arith.divf %convert_element_type3A_235, %div3A_237 : vector<16xf32>
    %convert_element_type3A_239 = arith.fptosi %div3A_238 : vector<16xf32> to vector<16xi32>
    %jit3A_240 = arith.constant 0 : i32
    %jit3A_241 = arith.constant 40 : i32
    %max3A_242 = vector.broadcast %jit3A_240 : i32 to vector<16xi32>
    %max3A_243 = arith.maxsi %max3A_242, %convert_element_type3A_239 : vector<16xi32>
    %min3A_244 = vector.broadcast %jit3A_241 : i32 to vector<16xi32>
    %min3A_245 = arith.minsi %min3A_244, %max3A_243 : vector<16xi32>
    %mul3A_246 = arith.constant 96 : i32
    %mul3A_247 = arith.muli %add3A, %mul3A_246 : i32
    %add3A_248 = vector.broadcast %mul3A_247 : i32 to vector<16xi32>
    %add3A_249 = arith.addi %min3A_245, %add3A_248 : vector<16xi32>
    %add3A_250 = arith.addi %add3A_249, %mul3A_20 : vector<16xi32>
    %swap3A_251 = arith.constant 1 : i32
    %swap3A_252 = arith.index_cast %swap3A_251 : i32 to index
    %swap3A_253 = arith.constant 0 : index
    %swap3A_254 = tpu.vector_load %arg7[%swap3A_252, %swap3A_253] {strides = array<i32>} : memref<4x128xi32, #tpu.memory_space<vmem>>, vector<1x16xi32>,
    %swap3A_255 = vector.shape_cast %swap3A_254 : vector<1x16xi32> to vector<16xi32>
    %swap3A_256 = vector.shape_cast %add3A_250 : vector<16xi32> to vector<1x16xi32>
    tpu.vector_store %arg7[%swap3A_252, %swap3A_253], %swap3A_256 {strides = array<i32>} : memref<4x128xi32, #tpu.memory_space<vmem>>, vector<1x16xi32>,
    %get3A_257 = arith.constant 1 : i32
    %get3A_258 = arith.index_cast %get3A_257 : i32 to index
    %get3A_259 = arith.constant 16 : index
    %get3A_260 = tpu.vector_load %arg7[%get3A_258, %get3A_259] {strides = array<i32>} : memref<4x128xi32, #tpu.memory_space<vmem>>, vector<1x16xi32>,
    %get3A_261 = vector.shape_cast %get3A_260 : vector<1x16xi32> to vector<16xi32>
    %convert_element_type3A_262 = arith.sitofp %get3A_261 : vector<16xi32> to vector<16xf32>
    %div3A_263 = arith.constant 6.000000e+00 : f32
    %div3A_264 = vector.broadcast %div3A_263 : f32 to vector<16xf32>
    %div3A_265 = arith.divf %convert_element_type3A_262, %div3A_264 : vector<16xf32>
    %convert_element_type3A_266 = arith.fptosi %div3A_265 : vector<16xf32> to vector<16xi32>
    %jit3A_267 = arith.constant 0 : i32
    %jit3A_268 = arith.constant 40 : i32
    %max3A_269 = vector.broadcast %jit3A_267 : i32 to vector<16xi32>
    %max3A_270 = arith.maxsi %max3A_269, %convert_element_type3A_266 : vector<16xi32>
    %min3A_271 = vector.broadcast %jit3A_268 : i32 to vector<16xi32>
    %min3A_272 = arith.minsi %min3A_271, %max3A_270 : vector<16xi32>
    %mul3A_273 = arith.constant 96 : i32
    %mul3A_274 = arith.muli %add3A, %mul3A_273 : i32
    %add3A_275 = vector.broadcast %mul3A_274 : i32 to vector<16xi32>
    %add3A_276 = arith.addi %min3A_272, %add3A_275 : vector<16xi32>
    %add3A_277 = arith.addi %add3A_276, %mul3A_20 : vector<16xi32>
    %swap3A_278 = arith.constant 1 : i32
    %swap3A_279 = arith.index_cast %swap3A_278 : i32 to index
    %swap3A_280 = arith.constant 16 : index
    %swap3A_281 = tpu.vector_load %arg7[%swap3A_279, %swap3A_280] {strides = array<i32>} : memref<4x128xi32, #tpu.memory_space<vmem>>, vector<1x16xi32>,
    %swap3A_282 = vector.shape_cast %swap3A_281 : vector<1x16xi32> to vector<16xi32>
    %swap3A_283 = vector.shape_cast %add3A_277 : vector<16xi32> to vector<1x16xi32>
    tpu.vector_store %arg7[%swap3A_279, %swap3A_280], %swap3A_283 {strides = array<i32>} : memref<4x128xi32, #tpu.memory_space<vmem>>, vector<1x16xi32>,
    %get3A_284 = arith.constant 1 : i32
    %get3A_285 = arith.index_cast %get3A_284 : i32 to index
    %get3A_286 = arith.constant 32 : index
    %get3A_287 = tpu.vector_load %arg7[%get3A_285, %get3A_286] {strides = array<i32>} : memref<4x128xi32, #tpu.memory_space<vmem>>, vector<1x16xi32>,
    %get3A_288 = vector.shape_cast %get3A_287 : vector<1x16xi32> to vector<16xi32>
    %convert_element_type3A_289 = arith.sitofp %get3A_288 : vector<16xi32> to vector<16xf32>
    %div3A_290 = arith.constant 6.000000e+00 : f32
    %div3A_291 = vector.broadcast %div3A_290 : f32 to vector<16xf32>
    %div3A_292 = arith.divf %convert_element_type3A_289, %div3A_291 : vector<16xf32>
    %convert_element_type3A_293 = arith.fptosi %div3A_292 : vector<16xf32> to vector<16xi32>
    %jit3A_294 = arith.constant 0 : i32
    %jit3A_295 = arith.constant 40 : i32
    %max3A_296 = vector.broadcast %jit3A_294 : i32 to vector<16xi32>
    %max3A_297 = arith.maxsi %max3A_296, %convert_element_type3A_293 : vector<16xi32>
    %min3A_298 = vector.broadcast %jit3A_295 : i32 to vector<16xi32>
    %min3A_299 = arith.minsi %min3A_298, %max3A_297 : vector<16xi32>
    %mul3A_300 = arith.constant 96 : i32
    %mul3A_301 = arith.muli %add3A, %mul3A_300 : i32
    %add3A_302 = vector.broadcast %mul3A_301 : i32 to vector<16xi32>
    %add3A_303 = arith.addi %min3A_299, %add3A_302 : vector<16xi32>
    %add3A_304 = arith.addi %add3A_303, %mul3A_20 : vector<16xi32>
    %swap3A_305 = arith.constant 1 : i32
    %swap3A_306 = arith.index_cast %swap3A_305 : i32 to index
    %swap3A_307 = arith.constant 32 : index
    %swap3A_308 = tpu.vector_load %arg7[%swap3A_306, %swap3A_307] {strides = array<i32>} : memref<4x128xi32, #tpu.memory_space<vmem>>, vector<1x16xi32>,
    %swap3A_309 = vector.shape_cast %swap3A_308 : vector<1x16xi32> to vector<16xi32>
    %swap3A_310 = vector.shape_cast %add3A_304 : vector<16xi32> to vector<1x16xi32>
    tpu.vector_store %arg7[%swap3A_306, %swap3A_307], %swap3A_310 {strides = array<i32>} : memref<4x128xi32, #tpu.memory_space<vmem>>, vector<1x16xi32>,
    %get3A_311 = arith.constant 1 : i32
    %get3A_312 = arith.index_cast %get3A_311 : i32 to index
    %get3A_313 = arith.constant 48 : index
    %get3A_314 = tpu.vector_load %arg7[%get3A_312, %get3A_313] {strides = array<i32>} : memref<4x128xi32, #tpu.memory_space<vmem>>, vector<1x16xi32>,
    %get3A_315 = vector.shape_cast %get3A_314 : vector<1x16xi32> to vector<16xi32>
    %convert_element_type3A_316 = arith.sitofp %get3A_315 : vector<16xi32> to vector<16xf32>
    %div3A_317 = arith.constant 6.000000e+00 : f32
    %div3A_318 = vector.broadcast %div3A_317 : f32 to vector<16xf32>
    %div3A_319 = arith.divf %convert_element_type3A_316, %div3A_318 : vector<16xf32>
    %convert_element_type3A_320 = arith.fptosi %div3A_319 : vector<16xf32> to vector<16xi32>
    %jit3A_321 = arith.constant 0 : i32
    %jit3A_322 = arith.constant 40 : i32
    %max3A_323 = vector.broadcast %jit3A_321 : i32 to vector<16xi32>
    %max3A_324 = arith.maxsi %max3A_323, %convert_element_type3A_320 : vector<16xi32>
    %min3A_325 = vector.broadcast %jit3A_322 : i32 to vector<16xi32>
    %min3A_326 = arith.minsi %min3A_325, %max3A_324 : vector<16xi32>
    %mul3A_327 = arith.constant 96 : i32
    %mul3A_328 = arith.muli %add3A, %mul3A_327 : i32
    %add3A_329 = vector.broadcast %mul3A_328 : i32 to vector<16xi32>
    %add3A_330 = arith.addi %min3A_326, %add3A_329 : vector<16xi32>
    %add3A_331 = arith.addi %add3A_330, %mul3A_20 : vector<16xi32>
    %swap3A_332 = arith.constant 1 : i32
    %swap3A_333 = arith.index_cast %swap3A_332 : i32 to index
    %swap3A_334 = arith.constant 48 : index
    %swap3A_335 = tpu.vector_load %arg7[%swap3A_333, %swap3A_334] {strides = array<i32>} : memref<4x128xi32, #tpu.memory_space<vmem>>, vector<1x16xi32>,
    %swap3A_336 = vector.shape_cast %swap3A_335 : vector<1x16xi32> to vector<16xi32>
    %swap3A_337 = vector.shape_cast %add3A_331 : vector<16xi32> to vector<1x16xi32>
    tpu.vector_store %arg7[%swap3A_333, %swap3A_334], %swap3A_337 {strides = array<i32>} : memref<4x128xi32, #tpu.memory_space<vmem>>, vector<1x16xi32>,
    %get3A_338 = arith.constant 1 : i32
    %get3A_339 = arith.index_cast %get3A_338 : i32 to index
    %get3A_340 = arith.constant 64 : index
    %get3A_341 = tpu.vector_load %arg7[%get3A_339, %get3A_340] {strides = array<i32>} : memref<4x128xi32, #tpu.memory_space<vmem>>, vector<1x16xi32>,
    %get3A_342 = vector.shape_cast %get3A_341 : vector<1x16xi32> to vector<16xi32>
    %convert_element_type3A_343 = arith.sitofp %get3A_342 : vector<16xi32> to vector<16xf32>
    %div3A_344 = arith.constant 6.000000e+00 : f32
    %div3A_345 = vector.broadcast %div3A_344 : f32 to vector<16xf32>
    %div3A_346 = arith.divf %convert_element_type3A_343, %div3A_345 : vector<16xf32>
    %convert_element_type3A_347 = arith.fptosi %div3A_346 : vector<16xf32> to vector<16xi32>
    %jit3A_348 = arith.constant 0 : i32
    %jit3A_349 = arith.constant 40 : i32
    %max3A_350 = vector.broadcast %jit3A_348 : i32 to vector<16xi32>
    %max3A_351 = arith.maxsi %max3A_350, %convert_element_type3A_347 : vector<16xi32>
    %min3A_352 = vector.broadcast %jit3A_349 : i32 to vector<16xi32>
    %min3A_353 = arith.minsi %min3A_352, %max3A_351 : vector<16xi32>
    %mul3A_354 = arith.constant 96 : i32
    %mul3A_355 = arith.muli %add3A, %mul3A_354 : i32
    %add3A_356 = vector.broadcast %mul3A_355 : i32 to vector<16xi32>
    %add3A_357 = arith.addi %min3A_353, %add3A_356 : vector<16xi32>
    %add3A_358 = arith.addi %add3A_357, %mul3A_20 : vector<16xi32>
    %swap3A_359 = arith.constant 1 : i32
    %swap3A_360 = arith.index_cast %swap3A_359 : i32 to index
    %swap3A_361 = arith.constant 64 : index
    %swap3A_362 = tpu.vector_load %arg7[%swap3A_360, %swap3A_361] {strides = array<i32>} : memref<4x128xi32, #tpu.memory_space<vmem>>, vector<1x16xi32>,
    %swap3A_363 = vector.shape_cast %swap3A_362 : vector<1x16xi32> to vector<16xi32>
    %swap3A_364 = vector.shape_cast %add3A_358 : vector<16xi32> to vector<1x16xi32>
    tpu.vector_store %arg7[%swap3A_360, %swap3A_361], %swap3A_364 {strides = array<i32>} : memref<4x128xi32, #tpu.memory_space<vmem>>, vector<1x16xi32>,
    %get3A_365 = arith.constant 1 : i32
    %get3A_366 = arith.index_cast %get3A_365 : i32 to index
    %get3A_367 = arith.constant 80 : index
    %get3A_368 = tpu.vector_load %arg7[%get3A_366, %get3A_367] {strides = array<i32>} : memref<4x128xi32, #tpu.memory_space<vmem>>, vector<1x16xi32>,
    %get3A_369 = vector.shape_cast %get3A_368 : vector<1x16xi32> to vector<16xi32>
    %convert_element_type3A_370 = arith.sitofp %get3A_369 : vector<16xi32> to vector<16xf32>
    %div3A_371 = arith.constant 6.000000e+00 : f32
    %div3A_372 = vector.broadcast %div3A_371 : f32 to vector<16xf32>
    %div3A_373 = arith.divf %convert_element_type3A_370, %div3A_372 : vector<16xf32>
    %convert_element_type3A_374 = arith.fptosi %div3A_373 : vector<16xf32> to vector<16xi32>
    %jit3A_375 = arith.constant 0 : i32
    %jit3A_376 = arith.constant 40 : i32
    %max3A_377 = vector.broadcast %jit3A_375 : i32 to vector<16xi32>
    %max3A_378 = arith.maxsi %max3A_377, %convert_element_type3A_374 : vector<16xi32>
    %min3A_379 = vector.broadcast %jit3A_376 : i32 to vector<16xi32>
    %min3A_380 = arith.minsi %min3A_379, %max3A_378 : vector<16xi32>
    %mul3A_381 = arith.constant 96 : i32
    %mul3A_382 = arith.muli %add3A, %mul3A_381 : i32
    %add3A_383 = vector.broadcast %mul3A_382 : i32 to vector<16xi32>
    %add3A_384 = arith.addi %min3A_380, %add3A_383 : vector<16xi32>
    %add3A_385 = arith.addi %add3A_384, %mul3A_20 : vector<16xi32>
    %swap3A_386 = arith.constant 1 : i32
    %swap3A_387 = arith.index_cast %swap3A_386 : i32 to index
    %swap3A_388 = arith.constant 80 : index
    %swap3A_389 = tpu.vector_load %arg7[%swap3A_387, %swap3A_388] {strides = array<i32>} : memref<4x128xi32, #tpu.memory_space<vmem>>, vector<1x16xi32>,
    %swap3A_390 = vector.shape_cast %swap3A_389 : vector<1x16xi32> to vector<16xi32>
    %swap3A_391 = vector.shape_cast %add3A_385 : vector<16xi32> to vector<1x16xi32>
    tpu.vector_store %arg7[%swap3A_387, %swap3A_388], %swap3A_391 {strides = array<i32>} : memref<4x128xi32, #tpu.memory_space<vmem>>, vector<1x16xi32>,
    %get3A_392 = arith.constant 1 : i32
    %get3A_393 = arith.index_cast %get3A_392 : i32 to index
    %get3A_394 = arith.constant 96 : index
    %get3A_395 = tpu.vector_load %arg7[%get3A_393, %get3A_394] {strides = array<i32>} : memref<4x128xi32, #tpu.memory_space<vmem>>, vector<1x16xi32>,
    %get3A_396 = vector.shape_cast %get3A_395 : vector<1x16xi32> to vector<16xi32>
    %convert_element_type3A_397 = arith.sitofp %get3A_396 : vector<16xi32> to vector<16xf32>
    %div3A_398 = arith.constant 6.000000e+00 : f32
    %div3A_399 = vector.broadcast %div3A_398 : f32 to vector<16xf32>
    %div3A_400 = arith.divf %convert_element_type3A_397, %div3A_399 : vector<16xf32>
    %convert_element_type3A_401 = arith.fptosi %div3A_400 : vector<16xf32> to vector<16xi32>
    %jit3A_402 = arith.constant 0 : i32
    %jit3A_403 = arith.constant 40 : i32
    %max3A_404 = vector.broadcast %jit3A_402 : i32 to vector<16xi32>
    %max3A_405 = arith.maxsi %max3A_404, %convert_element_type3A_401 : vector<16xi32>
    %min3A_406 = vector.broadcast %jit3A_403 : i32 to vector<16xi32>
    %min3A_407 = arith.minsi %min3A_406, %max3A_405 : vector<16xi32>
    %mul3A_408 = arith.constant 96 : i32
    %mul3A_409 = arith.muli %add3A, %mul3A_408 : i32
    %add3A_410 = vector.broadcast %mul3A_409 : i32 to vector<16xi32>
    %add3A_411 = arith.addi %min3A_407, %add3A_410 : vector<16xi32>
    %add3A_412 = arith.addi %add3A_411, %mul3A_20 : vector<16xi32>
    %swap3A_413 = arith.constant 1 : i32
    %swap3A_414 = arith.index_cast %swap3A_413 : i32 to index
    %swap3A_415 = arith.constant 96 : index
    %swap3A_416 = tpu.vector_load %arg7[%swap3A_414, %swap3A_415] {strides = array<i32>} : memref<4x128xi32, #tpu.memory_space<vmem>>, vector<1x16xi32>,
    %swap3A_417 = vector.shape_cast %swap3A_416 : vector<1x16xi32> to vector<16xi32>
    %swap3A_418 = vector.shape_cast %add3A_412 : vector<16xi32> to vector<1x16xi32>
    tpu.vector_store %arg7[%swap3A_414, %swap3A_415], %swap3A_418 {strides = array<i32>} : memref<4x128xi32, #tpu.memory_space<vmem>>, vector<1x16xi32>,
    %get3A_419 = arith.constant 1 : i32
    %get3A_420 = arith.index_cast %get3A_419 : i32 to index
    %get3A_421 = arith.constant 112 : index
    %get3A_422 = tpu.vector_load %arg7[%get3A_420, %get3A_421] {strides = array<i32>} : memref<4x128xi32, #tpu.memory_space<vmem>>, vector<1x16xi32>,
    %get3A_423 = vector.shape_cast %get3A_422 : vector<1x16xi32> to vector<16xi32>
    %convert_element_type3A_424 = arith.sitofp %get3A_423 : vector<16xi32> to vector<16xf32>
    %div3A_425 = arith.constant 6.000000e+00 : f32
    %div3A_426 = vector.broadcast %div3A_425 : f32 to vector<16xf32>
    %div3A_427 = arith.divf %convert_element_type3A_424, %div3A_426 : vector<16xf32>
    %convert_element_type3A_428 = arith.fptosi %div3A_427 : vector<16xf32> to vector<16xi32>
    %jit3A_429 = arith.constant 0 : i32
    %jit3A_430 = arith.constant 40 : i32
    %max3A_431 = vector.broadcast %jit3A_429 : i32 to vector<16xi32>
    %max3A_432 = arith.maxsi %max3A_431, %convert_element_type3A_428 : vector<16xi32>
    %min3A_433 = vector.broadcast %jit3A_430 : i32 to vector<16xi32>
    %min3A_434 = arith.minsi %min3A_433, %max3A_432 : vector<16xi32>
    %mul3A_435 = arith.constant 96 : i32
    %mul3A_436 = arith.muli %add3A, %mul3A_435 : i32
    %add3A_437 = vector.broadcast %mul3A_436 : i32 to vector<16xi32>
    %add3A_438 = arith.addi %min3A_434, %add3A_437 : vector<16xi32>
    %add3A_439 = arith.addi %add3A_438, %mul3A_20 : vector<16xi32>
    %swap3A_440 = arith.constant 1 : i32
    %swap3A_441 = arith.index_cast %swap3A_440 : i32 to index
    %swap3A_442 = arith.constant 112 : index
    %swap3A_443 = tpu.vector_load %arg7[%swap3A_441, %swap3A_442] {strides = array<i32>} : memref<4x128xi32, #tpu.memory_space<vmem>>, vector<1x16xi32>,
    %swap3A_444 = vector.shape_cast %swap3A_443 : vector<1x16xi32> to vector<16xi32>
    %swap3A_445 = vector.shape_cast %add3A_439 : vector<16xi32> to vector<1x16xi32>
    tpu.vector_store %arg7[%swap3A_441, %swap3A_442], %swap3A_445 {strides = array<i32>} : memref<4x128xi32, #tpu.memory_space<vmem>>, vector<1x16xi32>,
    %get3A_446 = arith.constant 2 : i32
    %get3A_447 = arith.index_cast %get3A_446 : i32 to index
    %get3A_448 = arith.constant 0 : index
    %get3A_449 = tpu.vector_load %arg7[%get3A_447, %get3A_448] {strides = array<i32>} : memref<4x128xi32, #tpu.memory_space<vmem>>, vector<1x16xi32>,
    %get3A_450 = vector.shape_cast %get3A_449 : vector<1x16xi32> to vector<16xi32>
    %convert_element_type3A_451 = arith.sitofp %get3A_450 : vector<16xi32> to vector<16xf32>
    %div3A_452 = arith.constant 6.000000e+00 : f32
    %div3A_453 = vector.broadcast %div3A_452 : f32 to vector<16xf32>
    %div3A_454 = arith.divf %convert_element_type3A_451, %div3A_453 : vector<16xf32>
    %convert_element_type3A_455 = arith.fptosi %div3A_454 : vector<16xf32> to vector<16xi32>
    %jit3A_456 = arith.constant 0 : i32
    %jit3A_457 = arith.constant 40 : i32
    %max3A_458 = vector.broadcast %jit3A_456 : i32 to vector<16xi32>
    %max3A_459 = arith.maxsi %max3A_458, %convert_element_type3A_455 : vector<16xi32>
    %min3A_460 = vector.broadcast %jit3A_457 : i32 to vector<16xi32>
    %min3A_461 = arith.minsi %min3A_460, %max3A_459 : vector<16xi32>
    %mul3A_462 = arith.constant 96 : i32
    %mul3A_463 = arith.muli %add3A, %mul3A_462 : i32
    %add3A_464 = vector.broadcast %mul3A_463 : i32 to vector<16xi32>
    %add3A_465 = arith.addi %min3A_461, %add3A_464 : vector<16xi32>
    %add3A_466 = arith.addi %add3A_465, %mul3A_20 : vector<16xi32>
    %swap3A_467 = arith.constant 2 : i32
    %swap3A_468 = arith.index_cast %swap3A_467 : i32 to index
    %swap3A_469 = arith.constant 0 : index
    %swap3A_470 = tpu.vector_load %arg7[%swap3A_468, %swap3A_469] {strides = array<i32>} : memref<4x128xi32, #tpu.memory_space<vmem>>, vector<1x16xi32>,
    %swap3A_471 = vector.shape_cast %swap3A_470 : vector<1x16xi32> to vector<16xi32>
    %swap3A_472 = vector.shape_cast %add3A_466 : vector<16xi32> to vector<1x16xi32>
    tpu.vector_store %arg7[%swap3A_468, %swap3A_469], %swap3A_472 {strides = array<i32>} : memref<4x128xi32, #tpu.memory_space<vmem>>, vector<1x16xi32>,
    %get3A_473 = arith.constant 2 : i32
    %get3A_474 = arith.index_cast %get3A_473 : i32 to index
    %get3A_475 = arith.constant 16 : index
    %get3A_476 = tpu.vector_load %arg7[%get3A_474, %get3A_475] {strides = array<i32>} : memref<4x128xi32, #tpu.memory_space<vmem>>, vector<1x16xi32>,
    %get3A_477 = vector.shape_cast %get3A_476 : vector<1x16xi32> to vector<16xi32>
    %convert_element_type3A_478 = arith.sitofp %get3A_477 : vector<16xi32> to vector<16xf32>
    %div3A_479 = arith.constant 6.000000e+00 : f32
    %div3A_480 = vector.broadcast %div3A_479 : f32 to vector<16xf32>
    %div3A_481 = arith.divf %convert_element_type3A_478, %div3A_480 : vector<16xf32>
    %convert_element_type3A_482 = arith.fptosi %div3A_481 : vector<16xf32> to vector<16xi32>
    %jit3A_483 = arith.constant 0 : i32
    %jit3A_484 = arith.constant 40 : i32
    %max3A_485 = vector.broadcast %jit3A_483 : i32 to vector<16xi32>
    %max3A_486 = arith.maxsi %max3A_485, %convert_element_type3A_482 : vector<16xi32>
    %min3A_487 = vector.broadcast %jit3A_484 : i32 to vector<16xi32>
    %min3A_488 = arith.minsi %min3A_487, %max3A_486 : vector<16xi32>
    %mul3A_489 = arith.constant 96 : i32
    %mul3A_490 = arith.muli %add3A, %mul3A_489 : i32
    %add3A_491 = vector.broadcast %mul3A_490 : i32 to vector<16xi32>
    %add3A_492 = arith.addi %min3A_488, %add3A_491 : vector<16xi32>
    %add3A_493 = arith.addi %add3A_492, %mul3A_20 : vector<16xi32>
    %swap3A_494 = arith.constant 2 : i32
    %swap3A_495 = arith.index_cast %swap3A_494 : i32 to index
    %swap3A_496 = arith.constant 16 : index
    %swap3A_497 = tpu.vector_load %arg7[%swap3A_495, %swap3A_496] {strides = array<i32>} : memref<4x128xi32, #tpu.memory_space<vmem>>, vector<1x16xi32>,
    %swap3A_498 = vector.shape_cast %swap3A_497 : vector<1x16xi32> to vector<16xi32>
    %swap3A_499 = vector.shape_cast %add3A_493 : vector<16xi32> to vector<1x16xi32>
    tpu.vector_store %arg7[%swap3A_495, %swap3A_496], %swap3A_499 {strides = array<i32>} : memref<4x128xi32, #tpu.memory_space<vmem>>, vector<1x16xi32>,
    %get3A_500 = arith.constant 2 : i32
    %get3A_501 = arith.index_cast %get3A_500 : i32 to index
    %get3A_502 = arith.constant 32 : index
    %get3A_503 = tpu.vector_load %arg7[%get3A_501, %get3A_502] {strides = array<i32>} : memref<4x128xi32, #tpu.memory_space<vmem>>, vector<1x16xi32>,
    %get3A_504 = vector.shape_cast %get3A_503 : vector<1x16xi32> to vector<16xi32>
    %convert_element_type3A_505 = arith.sitofp %get3A_504 : vector<16xi32> to vector<16xf32>
    %div3A_506 = arith.constant 6.000000e+00 : f32
    %div3A_507 = vector.broadcast %div3A_506 : f32 to vector<16xf32>
    %div3A_508 = arith.divf %convert_element_type3A_505, %div3A_507 : vector<16xf32>
    %convert_element_type3A_509 = arith.fptosi %div3A_508 : vector<16xf32> to vector<16xi32>
    %jit3A_510 = arith.constant 0 : i32
    %jit3A_511 = arith.constant 40 : i32
    %max3A_512 = vector.broadcast %jit3A_510 : i32 to vector<16xi32>
    %max3A_513 = arith.maxsi %max3A_512, %convert_element_type3A_509 : vector<16xi32>
    %min3A_514 = vector.broadcast %jit3A_511 : i32 to vector<16xi32>
    %min3A_515 = arith.minsi %min3A_514, %max3A_513 : vector<16xi32>
    %mul3A_516 = arith.constant 96 : i32
    %mul3A_517 = arith.muli %add3A, %mul3A_516 : i32
    %add3A_518 = vector.broadcast %mul3A_517 : i32 to vector<16xi32>
    %add3A_519 = arith.addi %min3A_515, %add3A_518 : vector<16xi32>
    %add3A_520 = arith.addi %add3A_519, %mul3A_20 : vector<16xi32>
    %swap3A_521 = arith.constant 2 : i32
    %swap3A_522 = arith.index_cast %swap3A_521 : i32 to index
    %swap3A_523 = arith.constant 32 : index
    %swap3A_524 = tpu.vector_load %arg7[%swap3A_522, %swap3A_523] {strides = array<i32>} : memref<4x128xi32, #tpu.memory_space<vmem>>, vector<1x16xi32>,
    %swap3A_525 = vector.shape_cast %swap3A_524 : vector<1x16xi32> to vector<16xi32>
    %swap3A_526 = vector.shape_cast %add3A_520 : vector<16xi32> to vector<1x16xi32>
    tpu.vector_store %arg7[%swap3A_522, %swap3A_523], %swap3A_526 {strides = array<i32>} : memref<4x128xi32, #tpu.memory_space<vmem>>, vector<1x16xi32>,
    %get3A_527 = arith.constant 2 : i32
    %get3A_528 = arith.index_cast %get3A_527 : i32 to index
    %get3A_529 = arith.constant 48 : index
    %get3A_530 = tpu.vector_load %arg7[%get3A_528, %get3A_529] {strides = array<i32>} : memref<4x128xi32, #tpu.memory_space<vmem>>, vector<1x16xi32>,
    %get3A_531 = vector.shape_cast %get3A_530 : vector<1x16xi32> to vector<16xi32>
    %convert_element_type3A_532 = arith.sitofp %get3A_531 : vector<16xi32> to vector<16xf32>
    %div3A_533 = arith.constant 6.000000e+00 : f32
    %div3A_534 = vector.broadcast %div3A_533 : f32 to vector<16xf32>
    %div3A_535 = arith.divf %convert_element_type3A_532, %div3A_534 : vector<16xf32>
    %convert_element_type3A_536 = arith.fptosi %div3A_535 : vector<16xf32> to vector<16xi32>
    %jit3A_537 = arith.constant 0 : i32
    %jit3A_538 = arith.constant 40 : i32
    %max3A_539 = vector.broadcast %jit3A_537 : i32 to vector<16xi32>
    %max3A_540 = arith.maxsi %max3A_539, %convert_element_type3A_536 : vector<16xi32>
    %min3A_541 = vector.broadcast %jit3A_538 : i32 to vector<16xi32>
    %min3A_542 = arith.minsi %min3A_541, %max3A_540 : vector<16xi32>
    %mul3A_543 = arith.constant 96 : i32
    %mul3A_544 = arith.muli %add3A, %mul3A_543 : i32
    %add3A_545 = vector.broadcast %mul3A_544 : i32 to vector<16xi32>
    %add3A_546 = arith.addi %min3A_542, %add3A_545 : vector<16xi32>
    %add3A_547 = arith.addi %add3A_546, %mul3A_20 : vector<16xi32>
    %swap3A_548 = arith.constant 2 : i32
    %swap3A_549 = arith.index_cast %swap3A_548 : i32 to index
    %swap3A_550 = arith.constant 48 : index
    %swap3A_551 = tpu.vector_load %arg7[%swap3A_549, %swap3A_550] {strides = array<i32>} : memref<4x128xi32, #tpu.memory_space<vmem>>, vector<1x16xi32>,
    %swap3A_552 = vector.shape_cast %swap3A_551 : vector<1x16xi32> to vector<16xi32>
    %swap3A_553 = vector.shape_cast %add3A_547 : vector<16xi32> to vector<1x16xi32>
    tpu.vector_store %arg7[%swap3A_549, %swap3A_550], %swap3A_553 {strides = array<i32>} : memref<4x128xi32, #tpu.memory_space<vmem>>, vector<1x16xi32>,
    %get3A_554 = arith.constant 2 : i32
    %get3A_555 = arith.index_cast %get3A_554 : i32 to index
    %get3A_556 = arith.constant 64 : index
    %get3A_557 = tpu.vector_load %arg7[%get3A_555, %get3A_556] {strides = array<i32>} : memref<4x128xi32, #tpu.memory_space<vmem>>, vector<1x16xi32>,
    %get3A_558 = vector.shape_cast %get3A_557 : vector<1x16xi32> to vector<16xi32>
    %convert_element_type3A_559 = arith.sitofp %get3A_558 : vector<16xi32> to vector<16xf32>
    %div3A_560 = arith.constant 6.000000e+00 : f32
    %div3A_561 = vector.broadcast %div3A_560 : f32 to vector<16xf32>
    %div3A_562 = arith.divf %convert_element_type3A_559, %div3A_561 : vector<16xf32>
    %convert_element_type3A_563 = arith.fptosi %div3A_562 : vector<16xf32> to vector<16xi32>
    %jit3A_564 = arith.constant 0 : i32
    %jit3A_565 = arith.constant 40 : i32
    %max3A_566 = vector.broadcast %jit3A_564 : i32 to vector<16xi32>
    %max3A_567 = arith.maxsi %max3A_566, %convert_element_type3A_563 : vector<16xi32>
    %min3A_568 = vector.broadcast %jit3A_565 : i32 to vector<16xi32>
    %min3A_569 = arith.minsi %min3A_568, %max3A_567 : vector<16xi32>
    %mul3A_570 = arith.constant 96 : i32
    %mul3A_571 = arith.muli %add3A, %mul3A_570 : i32
    %add3A_572 = vector.broadcast %mul3A_571 : i32 to vector<16xi32>
    %add3A_573 = arith.addi %min3A_569, %add3A_572 : vector<16xi32>
    %add3A_574 = arith.addi %add3A_573, %mul3A_20 : vector<16xi32>
    %swap3A_575 = arith.constant 2 : i32
    %swap3A_576 = arith.index_cast %swap3A_575 : i32 to index
    %swap3A_577 = arith.constant 64 : index
    %swap3A_578 = tpu.vector_load %arg7[%swap3A_576, %swap3A_577] {strides = array<i32>} : memref<4x128xi32, #tpu.memory_space<vmem>>, vector<1x16xi32>,
    %swap3A_579 = vector.shape_cast %swap3A_578 : vector<1x16xi32> to vector<16xi32>
    %swap3A_580 = vector.shape_cast %add3A_574 : vector<16xi32> to vector<1x16xi32>
    tpu.vector_store %arg7[%swap3A_576, %swap3A_577], %swap3A_580 {strides = array<i32>} : memref<4x128xi32, #tpu.memory_space<vmem>>, vector<1x16xi32>,
    %get3A_581 = arith.constant 2 : i32
    %get3A_582 = arith.index_cast %get3A_581 : i32 to index
    %get3A_583 = arith.constant 80 : index
    %get3A_584 = tpu.vector_load %arg7[%get3A_582, %get3A_583] {strides = array<i32>} : memref<4x128xi32, #tpu.memory_space<vmem>>, vector<1x16xi32>,
    %get3A_585 = vector.shape_cast %get3A_584 : vector<1x16xi32> to vector<16xi32>
    %convert_element_type3A_586 = arith.sitofp %get3A_585 : vector<16xi32> to vector<16xf32>
    %div3A_587 = arith.constant 6.000000e+00 : f32
    %div3A_588 = vector.broadcast %div3A_587 : f32 to vector<16xf32>
    %div3A_589 = arith.divf %convert_element_type3A_586, %div3A_588 : vector<16xf32>
    %convert_element_type3A_590 = arith.fptosi %div3A_589 : vector<16xf32> to vector<16xi32>
    %jit3A_591 = arith.constant 0 : i32
    %jit3A_592 = arith.constant 40 : i32
    %max3A_593 = vector.broadcast %jit3A_591 : i32 to vector<16xi32>
    %max3A_594 = arith.maxsi %max3A_593, %convert_element_type3A_590 : vector<16xi32>
    %min3A_595 = vector.broadcast %jit3A_592 : i32 to vector<16xi32>
    %min3A_596 = arith.minsi %min3A_595, %max3A_594 : vector<16xi32>
    %mul3A_597 = arith.constant 96 : i32
    %mul3A_598 = arith.muli %add3A, %mul3A_597 : i32
    %add3A_599 = vector.broadcast %mul3A_598 : i32 to vector<16xi32>
    %add3A_600 = arith.addi %min3A_596, %add3A_599 : vector<16xi32>
    %add3A_601 = arith.addi %add3A_600, %mul3A_20 : vector<16xi32>
    %swap3A_602 = arith.constant 2 : i32
    %swap3A_603 = arith.index_cast %swap3A_602 : i32 to index
    %swap3A_604 = arith.constant 80 : index
    %swap3A_605 = tpu.vector_load %arg7[%swap3A_603, %swap3A_604] {strides = array<i32>} : memref<4x128xi32, #tpu.memory_space<vmem>>, vector<1x16xi32>,
    %swap3A_606 = vector.shape_cast %swap3A_605 : vector<1x16xi32> to vector<16xi32>
    %swap3A_607 = vector.shape_cast %add3A_601 : vector<16xi32> to vector<1x16xi32>
    tpu.vector_store %arg7[%swap3A_603, %swap3A_604], %swap3A_607 {strides = array<i32>} : memref<4x128xi32, #tpu.memory_space<vmem>>, vector<1x16xi32>,
    %get3A_608 = arith.constant 2 : i32
    %get3A_609 = arith.index_cast %get3A_608 : i32 to index
    %get3A_610 = arith.constant 96 : index
    %get3A_611 = tpu.vector_load %arg7[%get3A_609, %get3A_610] {strides = array<i32>} : memref<4x128xi32, #tpu.memory_space<vmem>>, vector<1x16xi32>,
    %get3A_612 = vector.shape_cast %get3A_611 : vector<1x16xi32> to vector<16xi32>
    %convert_element_type3A_613 = arith.sitofp %get3A_612 : vector<16xi32> to vector<16xf32>
    %div3A_614 = arith.constant 6.000000e+00 : f32
    %div3A_615 = vector.broadcast %div3A_614 : f32 to vector<16xf32>
    %div3A_616 = arith.divf %convert_element_type3A_613, %div3A_615 : vector<16xf32>
    %convert_element_type3A_617 = arith.fptosi %div3A_616 : vector<16xf32> to vector<16xi32>
    %jit3A_618 = arith.constant 0 : i32
    %jit3A_619 = arith.constant 40 : i32
    %max3A_620 = vector.broadcast %jit3A_618 : i32 to vector<16xi32>
    %max3A_621 = arith.maxsi %max3A_620, %convert_element_type3A_617 : vector<16xi32>
    %min3A_622 = vector.broadcast %jit3A_619 : i32 to vector<16xi32>
    %min3A_623 = arith.minsi %min3A_622, %max3A_621 : vector<16xi32>
    %mul3A_624 = arith.constant 96 : i32
    %mul3A_625 = arith.muli %add3A, %mul3A_624 : i32
    %add3A_626 = vector.broadcast %mul3A_625 : i32 to vector<16xi32>
    %add3A_627 = arith.addi %min3A_623, %add3A_626 : vector<16xi32>
    %add3A_628 = arith.addi %add3A_627, %mul3A_20 : vector<16xi32>
    %swap3A_629 = arith.constant 2 : i32
    %swap3A_630 = arith.index_cast %swap3A_629 : i32 to index
    %swap3A_631 = arith.constant 96 : index
    %swap3A_632 = tpu.vector_load %arg7[%swap3A_630, %swap3A_631] {strides = array<i32>} : memref<4x128xi32, #tpu.memory_space<vmem>>, vector<1x16xi32>,
    %swap3A_633 = vector.shape_cast %swap3A_632 : vector<1x16xi32> to vector<16xi32>
    %swap3A_634 = vector.shape_cast %add3A_628 : vector<16xi32> to vector<1x16xi32>
    tpu.vector_store %arg7[%swap3A_630, %swap3A_631], %swap3A_634 {strides = array<i32>} : memref<4x128xi32, #tpu.memory_space<vmem>>, vector<1x16xi32>,
    %get3A_635 = arith.constant 2 : i32
    %get3A_636 = arith.index_cast %get3A_635 : i32 to index
    %get3A_637 = arith.constant 112 : index
    %get3A_638 = tpu.vector_load %arg7[%get3A_636, %get3A_637] {strides = array<i32>} : memref<4x128xi32, #tpu.memory_space<vmem>>, vector<1x16xi32>,
    %get3A_639 = vector.shape_cast %get3A_638 : vector<1x16xi32> to vector<16xi32>
    %convert_element_type3A_640 = arith.sitofp %get3A_639 : vector<16xi32> to vector<16xf32>
    %div3A_641 = arith.constant 6.000000e+00 : f32
    %div3A_642 = vector.broadcast %div3A_641 : f32 to vector<16xf32>
    %div3A_643 = arith.divf %convert_element_type3A_640, %div3A_642 : vector<16xf32>
    %convert_element_type3A_644 = arith.fptosi %div3A_643 : vector<16xf32> to vector<16xi32>
    %jit3A_645 = arith.constant 0 : i32
    %jit3A_646 = arith.constant 40 : i32
    %max3A_647 = vector.broadcast %jit3A_645 : i32 to vector<16xi32>
    %max3A_648 = arith.maxsi %max3A_647, %convert_element_type3A_644 : vector<16xi32>
    %min3A_649 = vector.broadcast %jit3A_646 : i32 to vector<16xi32>
    %min3A_650 = arith.minsi %min3A_649, %max3A_648 : vector<16xi32>
    %mul3A_651 = arith.constant 96 : i32
    %mul3A_652 = arith.muli %add3A, %mul3A_651 : i32
    %add3A_653 = vector.broadcast %mul3A_652 : i32 to vector<16xi32>
    %add3A_654 = arith.addi %min3A_650, %add3A_653 : vector<16xi32>
    %add3A_655 = arith.addi %add3A_654, %mul3A_20 : vector<16xi32>
    %swap3A_656 = arith.constant 2 : i32
    %swap3A_657 = arith.index_cast %swap3A_656 : i32 to index
    %swap3A_658 = arith.constant 112 : index
    %swap3A_659 = tpu.vector_load %arg7[%swap3A_657, %swap3A_658] {strides = array<i32>} : memref<4x128xi32, #tpu.memory_space<vmem>>, vector<1x16xi32>,
    %swap3A_660 = vector.shape_cast %swap3A_659 : vector<1x16xi32> to vector<16xi32>
    %swap3A_661 = vector.shape_cast %add3A_655 : vector<16xi32> to vector<1x16xi32>
    tpu.vector_store %arg7[%swap3A_657, %swap3A_658], %swap3A_661 {strides = array<i32>} : memref<4x128xi32, #tpu.memory_space<vmem>>, vector<1x16xi32>,
    %get3A_662 = arith.constant 3 : i32
    %get3A_663 = arith.index_cast %get3A_662 : i32 to index
    %get3A_664 = arith.constant 0 : index
    %get3A_665 = tpu.vector_load %arg7[%get3A_663, %get3A_664] {strides = array<i32>} : memref<4x128xi32, #tpu.memory_space<vmem>>, vector<1x16xi32>,
    %get3A_666 = vector.shape_cast %get3A_665 : vector<1x16xi32> to vector<16xi32>
    %convert_element_type3A_667 = arith.sitofp %get3A_666 : vector<16xi32> to vector<16xf32>
    %div3A_668 = arith.constant 6.000000e+00 : f32
    %div3A_669 = vector.broadcast %div3A_668 : f32 to vector<16xf32>
    %div3A_670 = arith.divf %convert_element_type3A_667, %div3A_669 : vector<16xf32>
    %convert_element_type3A_671 = arith.fptosi %div3A_670 : vector<16xf32> to vector<16xi32>
    %jit3A_672 = arith.constant 0 : i32
    %jit3A_673 = arith.constant 40 : i32
    %max3A_674 = vector.broadcast %jit3A_672 : i32 to vector<16xi32>
    %max3A_675 = arith.maxsi %max3A_674, %convert_element_type3A_671 : vector<16xi32>
    %min3A_676 = vector.broadcast %jit3A_673 : i32 to vector<16xi32>
    %min3A_677 = arith.minsi %min3A_676, %max3A_675 : vector<16xi32>
    %mul3A_678 = arith.constant 96 : i32
    %mul3A_679 = arith.muli %add3A, %mul3A_678 : i32
    %add3A_680 = vector.broadcast %mul3A_679 : i32 to vector<16xi32>
    %add3A_681 = arith.addi %min3A_677, %add3A_680 : vector<16xi32>
    %add3A_682 = arith.addi %add3A_681, %mul3A_20 : vector<16xi32>
    %swap3A_683 = arith.constant 3 : i32
    %swap3A_684 = arith.index_cast %swap3A_683 : i32 to index
    %swap3A_685 = arith.constant 0 : index
    %swap3A_686 = tpu.vector_load %arg7[%swap3A_684, %swap3A_685] {strides = array<i32>} : memref<4x128xi32, #tpu.memory_space<vmem>>, vector<1x16xi32>,
    %swap3A_687 = vector.shape_cast %swap3A_686 : vector<1x16xi32> to vector<16xi32>
    %swap3A_688 = vector.shape_cast %add3A_682 : vector<16xi32> to vector<1x16xi32>
    tpu.vector_store %arg7[%swap3A_684, %swap3A_685], %swap3A_688 {strides = array<i32>} : memref<4x128xi32, #tpu.memory_space<vmem>>, vector<1x16xi32>,
    %get3A_689 = arith.constant 3 : i32
    %get3A_690 = arith.index_cast %get3A_689 : i32 to index
    %get3A_691 = arith.constant 16 : index
    %get3A_692 = tpu.vector_load %arg7[%get3A_690, %get3A_691] {strides = array<i32>} : memref<4x128xi32, #tpu.memory_space<vmem>>, vector<1x16xi32>,
    %get3A_693 = vector.shape_cast %get3A_692 : vector<1x16xi32> to vector<16xi32>
    %convert_element_type3A_694 = arith.sitofp %get3A_693 : vector<16xi32> to vector<16xf32>
    %div3A_695 = arith.constant 6.000000e+00 : f32
    %div3A_696 = vector.broadcast %div3A_695 : f32 to vector<16xf32>
    %div3A_697 = arith.divf %convert_element_type3A_694, %div3A_696 : vector<16xf32>
    %convert_element_type3A_698 = arith.fptosi %div3A_697 : vector<16xf32> to vector<16xi32>
    %jit3A_699 = arith.constant 0 : i32
    %jit3A_700 = arith.constant 40 : i32
    %max3A_701 = vector.broadcast %jit3A_699 : i32 to vector<16xi32>
    %max3A_702 = arith.maxsi %max3A_701, %convert_element_type3A_698 : vector<16xi32>
    %min3A_703 = vector.broadcast %jit3A_700 : i32 to vector<16xi32>
    %min3A_704 = arith.minsi %min3A_703, %max3A_702 : vector<16xi32>
    %mul3A_705 = arith.constant 96 : i32
    %mul3A_706 = arith.muli %add3A, %mul3A_705 : i32
    %add3A_707 = vector.broadcast %mul3A_706 : i32 to vector<16xi32>
    %add3A_708 = arith.addi %min3A_704, %add3A_707 : vector<16xi32>
    %add3A_709 = arith.addi %add3A_708, %mul3A_20 : vector<16xi32>
    %swap3A_710 = arith.constant 3 : i32
    %swap3A_711 = arith.index_cast %swap3A_710 : i32 to index
    %swap3A_712 = arith.constant 16 : index
    %swap3A_713 = tpu.vector_load %arg7[%swap3A_711, %swap3A_712] {strides = array<i32>} : memref<4x128xi32, #tpu.memory_space<vmem>>, vector<1x16xi32>,
    %swap3A_714 = vector.shape_cast %swap3A_713 : vector<1x16xi32> to vector<16xi32>
    %swap3A_715 = vector.shape_cast %add3A_709 : vector<16xi32> to vector<1x16xi32>
    tpu.vector_store %arg7[%swap3A_711, %swap3A_712], %swap3A_715 {strides = array<i32>} : memref<4x128xi32, #tpu.memory_space<vmem>>, vector<1x16xi32>,
    %get3A_716 = arith.constant 3 : i32
    %get3A_717 = arith.index_cast %get3A_716 : i32 to index
    %get3A_718 = arith.constant 32 : index
    %get3A_719 = tpu.vector_load %arg7[%get3A_717, %get3A_718] {strides = array<i32>} : memref<4x128xi32, #tpu.memory_space<vmem>>, vector<1x16xi32>,
    %get3A_720 = vector.shape_cast %get3A_719 : vector<1x16xi32> to vector<16xi32>
    %convert_element_type3A_721 = arith.sitofp %get3A_720 : vector<16xi32> to vector<16xf32>
    %div3A_722 = arith.constant 6.000000e+00 : f32
    %div3A_723 = vector.broadcast %div3A_722 : f32 to vector<16xf32>
    %div3A_724 = arith.divf %convert_element_type3A_721, %div3A_723 : vector<16xf32>
    %convert_element_type3A_725 = arith.fptosi %div3A_724 : vector<16xf32> to vector<16xi32>
    %jit3A_726 = arith.constant 0 : i32
    %jit3A_727 = arith.constant 40 : i32
    %max3A_728 = vector.broadcast %jit3A_726 : i32 to vector<16xi32>
    %max3A_729 = arith.maxsi %max3A_728, %convert_element_type3A_725 : vector<16xi32>
    %min3A_730 = vector.broadcast %jit3A_727 : i32 to vector<16xi32>
    %min3A_731 = arith.minsi %min3A_730, %max3A_729 : vector<16xi32>
    %mul3A_732 = arith.constant 96 : i32
    %mul3A_733 = arith.muli %add3A, %mul3A_732 : i32
    %add3A_734 = vector.broadcast %mul3A_733 : i32 to vector<16xi32>
    %add3A_735 = arith.addi %min3A_731, %add3A_734 : vector<16xi32>
    %add3A_736 = arith.addi %add3A_735, %mul3A_20 : vector<16xi32>
    %swap3A_737 = arith.constant 3 : i32
    %swap3A_738 = arith.index_cast %swap3A_737 : i32 to index
    %swap3A_739 = arith.constant 32 : index
    %swap3A_740 = tpu.vector_load %arg7[%swap3A_738, %swap3A_739] {strides = array<i32>} : memref<4x128xi32, #tpu.memory_space<vmem>>, vector<1x16xi32>,
    %swap3A_741 = vector.shape_cast %swap3A_740 : vector<1x16xi32> to vector<16xi32>
    %swap3A_742 = vector.shape_cast %add3A_736 : vector<16xi32> to vector<1x16xi32>
    tpu.vector_store %arg7[%swap3A_738, %swap3A_739], %swap3A_742 {strides = array<i32>} : memref<4x128xi32, #tpu.memory_space<vmem>>, vector<1x16xi32>,
    %get3A_743 = arith.constant 3 : i32
    %get3A_744 = arith.index_cast %get3A_743 : i32 to index
    %get3A_745 = arith.constant 48 : index
    %get3A_746 = tpu.vector_load %arg7[%get3A_744, %get3A_745] {strides = array<i32>} : memref<4x128xi32, #tpu.memory_space<vmem>>, vector<1x16xi32>,
    %get3A_747 = vector.shape_cast %get3A_746 : vector<1x16xi32> to vector<16xi32>
    %convert_element_type3A_748 = arith.sitofp %get3A_747 : vector<16xi32> to vector<16xf32>
    %div3A_749 = arith.constant 6.000000e+00 : f32
    %div3A_750 = vector.broadcast %div3A_749 : f32 to vector<16xf32>
    %div3A_751 = arith.divf %convert_element_type3A_748, %div3A_750 : vector<16xf32>
    %convert_element_type3A_752 = arith.fptosi %div3A_751 : vector<16xf32> to vector<16xi32>
    %jit3A_753 = arith.constant 0 : i32
    %jit3A_754 = arith.constant 40 : i32
    %max3A_755 = vector.broadcast %jit3A_753 : i32 to vector<16xi32>
    %max3A_756 = arith.maxsi %max3A_755, %convert_element_type3A_752 : vector<16xi32>
    %min3A_757 = vector.broadcast %jit3A_754 : i32 to vector<16xi32>
    %min3A_758 = arith.minsi %min3A_757, %max3A_756 : vector<16xi32>
    %mul3A_759 = arith.constant 96 : i32
    %mul3A_760 = arith.muli %add3A, %mul3A_759 : i32
    %add3A_761 = vector.broadcast %mul3A_760 : i32 to vector<16xi32>
    %add3A_762 = arith.addi %min3A_758, %add3A_761 : vector<16xi32>
    %add3A_763 = arith.addi %add3A_762, %mul3A_20 : vector<16xi32>
    %swap3A_764 = arith.constant 3 : i32
    %swap3A_765 = arith.index_cast %swap3A_764 : i32 to index
    %swap3A_766 = arith.constant 48 : index
    %swap3A_767 = tpu.vector_load %arg7[%swap3A_765, %swap3A_766] {strides = array<i32>} : memref<4x128xi32, #tpu.memory_space<vmem>>, vector<1x16xi32>,
    %swap3A_768 = vector.shape_cast %swap3A_767 : vector<1x16xi32> to vector<16xi32>
    %swap3A_769 = vector.shape_cast %add3A_763 : vector<16xi32> to vector<1x16xi32>
    tpu.vector_store %arg7[%swap3A_765, %swap3A_766], %swap3A_769 {strides = array<i32>} : memref<4x128xi32, #tpu.memory_space<vmem>>, vector<1x16xi32>,
    %get3A_770 = arith.constant 3 : i32
    %get3A_771 = arith.index_cast %get3A_770 : i32 to index
    %get3A_772 = arith.constant 64 : index
    %get3A_773 = tpu.vector_load %arg7[%get3A_771, %get3A_772] {strides = array<i32>} : memref<4x128xi32, #tpu.memory_space<vmem>>, vector<1x16xi32>,
    %get3A_774 = vector.shape_cast %get3A_773 : vector<1x16xi32> to vector<16xi32>
    %convert_element_type3A_775 = arith.sitofp %get3A_774 : vector<16xi32> to vector<16xf32>
    %div3A_776 = arith.constant 6.000000e+00 : f32
    %div3A_777 = vector.broadcast %div3A_776 : f32 to vector<16xf32>
    %div3A_778 = arith.divf %convert_element_type3A_775, %div3A_777 : vector<16xf32>
    %convert_element_type3A_779 = arith.fptosi %div3A_778 : vector<16xf32> to vector<16xi32>
    %jit3A_780 = arith.constant 0 : i32
    %jit3A_781 = arith.constant 40 : i32
    %max3A_782 = vector.broadcast %jit3A_780 : i32 to vector<16xi32>
    %max3A_783 = arith.maxsi %max3A_782, %convert_element_type3A_779 : vector<16xi32>
    %min3A_784 = vector.broadcast %jit3A_781 : i32 to vector<16xi32>
    %min3A_785 = arith.minsi %min3A_784, %max3A_783 : vector<16xi32>
    %mul3A_786 = arith.constant 96 : i32
    %mul3A_787 = arith.muli %add3A, %mul3A_786 : i32
    %add3A_788 = vector.broadcast %mul3A_787 : i32 to vector<16xi32>
    %add3A_789 = arith.addi %min3A_785, %add3A_788 : vector<16xi32>
    %add3A_790 = arith.addi %add3A_789, %mul3A_20 : vector<16xi32>
    %swap3A_791 = arith.constant 3 : i32
    %swap3A_792 = arith.index_cast %swap3A_791 : i32 to index
    %swap3A_793 = arith.constant 64 : index
    %swap3A_794 = tpu.vector_load %arg7[%swap3A_792, %swap3A_793] {strides = array<i32>} : memref<4x128xi32, #tpu.memory_space<vmem>>, vector<1x16xi32>,
    %swap3A_795 = vector.shape_cast %swap3A_794 : vector<1x16xi32> to vector<16xi32>
    %swap3A_796 = vector.shape_cast %add3A_790 : vector<16xi32> to vector<1x16xi32>
    tpu.vector_store %arg7[%swap3A_792, %swap3A_793], %swap3A_796 {strides = array<i32>} : memref<4x128xi32, #tpu.memory_space<vmem>>, vector<1x16xi32>,
    %get3A_797 = arith.constant 3 : i32
    %get3A_798 = arith.index_cast %get3A_797 : i32 to index
    %get3A_799 = arith.constant 80 : index
    %get3A_800 = tpu.vector_load %arg7[%get3A_798, %get3A_799] {strides = array<i32>} : memref<4x128xi32, #tpu.memory_space<vmem>>, vector<1x16xi32>,
    %get3A_801 = vector.shape_cast %get3A_800 : vector<1x16xi32> to vector<16xi32>
    %convert_element_type3A_802 = arith.sitofp %get3A_801 : vector<16xi32> to vector<16xf32>
    %div3A_803 = arith.constant 6.000000e+00 : f32
    %div3A_804 = vector.broadcast %div3A_803 : f32 to vector<16xf32>
    %div3A_805 = arith.divf %convert_element_type3A_802, %div3A_804 : vector<16xf32>
    %convert_element_type3A_806 = arith.fptosi %div3A_805 : vector<16xf32> to vector<16xi32>
    %jit3A_807 = arith.constant 0 : i32
    %jit3A_808 = arith.constant 40 : i32
    %max3A_809 = vector.broadcast %jit3A_807 : i32 to vector<16xi32>
    %max3A_810 = arith.maxsi %max3A_809, %convert_element_type3A_806 : vector<16xi32>
    %min3A_811 = vector.broadcast %jit3A_808 : i32 to vector<16xi32>
    %min3A_812 = arith.minsi %min3A_811, %max3A_810 : vector<16xi32>
    %mul3A_813 = arith.constant 96 : i32
    %mul3A_814 = arith.muli %add3A, %mul3A_813 : i32
    %add3A_815 = vector.broadcast %mul3A_814 : i32 to vector<16xi32>
    %add3A_816 = arith.addi %min3A_812, %add3A_815 : vector<16xi32>
    %add3A_817 = arith.addi %add3A_816, %mul3A_20 : vector<16xi32>
    %swap3A_818 = arith.constant 3 : i32
    %swap3A_819 = arith.index_cast %swap3A_818 : i32 to index
    %swap3A_820 = arith.constant 80 : index
    %swap3A_821 = tpu.vector_load %arg7[%swap3A_819, %swap3A_820] {strides = array<i32>} : memref<4x128xi32, #tpu.memory_space<vmem>>, vector<1x16xi32>,
    %swap3A_822 = vector.shape_cast %swap3A_821 : vector<1x16xi32> to vector<16xi32>
    %swap3A_823 = vector.shape_cast %add3A_817 : vector<16xi32> to vector<1x16xi32>
    tpu.vector_store %arg7[%swap3A_819, %swap3A_820], %swap3A_823 {strides = array<i32>} : memref<4x128xi32, #tpu.memory_space<vmem>>, vector<1x16xi32>,
    %get3A_824 = arith.constant 3 : i32
    %get3A_825 = arith.index_cast %get3A_824 : i32 to index
    %get3A_826 = arith.constant 96 : index
    %get3A_827 = tpu.vector_load %arg7[%get3A_825, %get3A_826] {strides = array<i32>} : memref<4x128xi32, #tpu.memory_space<vmem>>, vector<1x16xi32>,
    %get3A_828 = vector.shape_cast %get3A_827 : vector<1x16xi32> to vector<16xi32>
    %convert_element_type3A_829 = arith.sitofp %get3A_828 : vector<16xi32> to vector<16xf32>
    %div3A_830 = arith.constant 6.000000e+00 : f32
    %div3A_831 = vector.broadcast %div3A_830 : f32 to vector<16xf32>
    %div3A_832 = arith.divf %convert_element_type3A_829, %div3A_831 : vector<16xf32>
    %convert_element_type3A_833 = arith.fptosi %div3A_832 : vector<16xf32> to vector<16xi32>
    %jit3A_834 = arith.constant 0 : i32
    %jit3A_835 = arith.constant 40 : i32
    %max3A_836 = vector.broadcast %jit3A_834 : i32 to vector<16xi32>
    %max3A_837 = arith.maxsi %max3A_836, %convert_element_type3A_833 : vector<16xi32>
    %min3A_838 = vector.broadcast %jit3A_835 : i32 to vector<16xi32>
    %min3A_839 = arith.minsi %min3A_838, %max3A_837 : vector<16xi32>
    %mul3A_840 = arith.constant 96 : i32
    %mul3A_841 = arith.muli %add3A, %mul3A_840 : i32
    %add3A_842 = vector.broadcast %mul3A_841 : i32 to vector<16xi32>
    %add3A_843 = arith.addi %min3A_839, %add3A_842 : vector<16xi32>
    %add3A_844 = arith.addi %add3A_843, %mul3A_20 : vector<16xi32>
    %swap3A_845 = arith.constant 3 : i32
    %swap3A_846 = arith.index_cast %swap3A_845 : i32 to index
    %swap3A_847 = arith.constant 96 : index
    %swap3A_848 = tpu.vector_load %arg7[%swap3A_846, %swap3A_847] {strides = array<i32>} : memref<4x128xi32, #tpu.memory_space<vmem>>, vector<1x16xi32>,
    %swap3A_849 = vector.shape_cast %swap3A_848 : vector<1x16xi32> to vector<16xi32>
    %swap3A_850 = vector.shape_cast %add3A_844 : vector<16xi32> to vector<1x16xi32>
    tpu.vector_store %arg7[%swap3A_846, %swap3A_847], %swap3A_850 {strides = array<i32>} : memref<4x128xi32, #tpu.memory_space<vmem>>, vector<1x16xi32>,
    %get3A_851 = arith.constant 3 : i32
    %get3A_852 = arith.index_cast %get3A_851 : i32 to index
    %get3A_853 = arith.constant 112 : index
    %get3A_854 = tpu.vector_load %arg7[%get3A_852, %get3A_853] {strides = array<i32>} : memref<4x128xi32, #tpu.memory_space<vmem>>, vector<1x16xi32>,
    %get3A_855 = vector.shape_cast %get3A_854 : vector<1x16xi32> to vector<16xi32>
    %convert_element_type3A_856 = arith.sitofp %get3A_855 : vector<16xi32> to vector<16xf32>
    %div3A_857 = arith.constant 6.000000e+00 : f32
    %div3A_858 = vector.broadcast %div3A_857 : f32 to vector<16xf32>
    %div3A_859 = arith.divf %convert_element_type3A_856, %div3A_858 : vector<16xf32>
    %convert_element_type3A_860 = arith.fptosi %div3A_859 : vector<16xf32> to vector<16xi32>
    %jit3A_861 = arith.constant 0 : i32
    %jit3A_862 = arith.constant 40 : i32
    %max3A_863 = vector.broadcast %jit3A_861 : i32 to vector<16xi32>
    %max3A_864 = arith.maxsi %max3A_863, %convert_element_type3A_860 : vector<16xi32>
    %min3A_865 = vector.broadcast %jit3A_862 : i32 to vector<16xi32>
    %min3A_866 = arith.minsi %min3A_865, %max3A_864 : vector<16xi32>
    %mul3A_867 = arith.constant 96 : i32
    %mul3A_868 = arith.muli %add3A, %mul3A_867 : i32
    %add3A_869 = vector.broadcast %mul3A_868 : i32 to vector<16xi32>
    %add3A_870 = arith.addi %min3A_866, %add3A_869 : vector<16xi32>
    %add3A_871 = arith.addi %add3A_870, %mul3A_20 : vector<16xi32>
    %swap3A_872 = arith.constant 3 : i32
    %swap3A_873 = arith.index_cast %swap3A_872 : i32 to index
    %swap3A_874 = arith.constant 112 : index
    %swap3A_875 = tpu.vector_load %arg7[%swap3A_873, %swap3A_874] {strides = array<i32>} : memref<4x128xi32, #tpu.memory_space<vmem>>, vector<1x16xi32>,
    %swap3A_876 = vector.shape_cast %swap3A_875 : vector<1x16xi32> to vector<16xi32>
    %swap3A_877 = vector.shape_cast %add3A_871 : vector<16xi32> to vector<1x16xi32>
    tpu.vector_store %arg7[%swap3A_873, %swap3A_874], %swap3A_877 {strides = array<i32>} : memref<4x128xi32, #tpu.memory_space<vmem>>, vector<1x16xi32>,
    tpu.wait_dma2 semaphore(%arg18 : memref<!tpu.dma_semaphore, #tpu.memory_space<semaphore_mem>>) src(%arg3 : memref<48x256xf32, #tpu.memory_space<hbm>>) dst(%arg6 : memref<48x256xf32, #tpu.memory_space<vmem>>)
    %mul3A_878 = arith.constant 2 : i32
    %mul3A_879 = arith.muli %add3A, %mul3A_878 : i32
    %add3A_880 = arith.constant 0 : i32
    %add3A_881 = arith.addi %mul3A_879, %add3A_880 : i32
    %mul3A_882 = arith.constant 48 : i32
    %mul3A_883 = arith.muli %add3A_881, %mul3A_882 : i32
    %dma_start3A = arith.constant 0 : i32
    %dma_start3A_884 = tpu.memref_slice %arg5[%mul3A_883, %dma_start3A] : memref<3072x256xf32, #tpu.memory_space<hbm>> -> memref<48x256xf32, #tpu.memory_space<hbm>>
    %dma_start3A_885 = arith.constant 0 : i32
    %dma_start3A_886 = tpu.memref_slice %arg5[%mul3A_883, %dma_start3A_885] : memref<3072x256xf32, #tpu.memory_space<hbm>> -> memref<48x256xf32, #tpu.memory_space<hbm>>
    tpu.enqueue_dma source(%arg6 : memref<48x256xf32, #tpu.memory_space<vmem>>) target(%dma_start3A_886 : memref<48x256xf32, #tpu.memory_space<hbm>>) target_semaphore(%arg17 : memref<!tpu.dma_semaphore, #tpu.memory_space<semaphore_mem>>)
    %mul3A_887 = arith.constant 2 : i32
    %mul3A_888 = arith.muli %add3A, %mul3A_887 : i32
    %add3A_889 = arith.constant 1 : i32
    %add3A_890 = arith.addi %mul3A_888, %add3A_889 : i32
    %mul3A_891 = arith.constant 48 : i32
    %mul3A_892 = arith.muli %add3A_890, %mul3A_891 : i32
    %dma_start3A_893 = arith.constant 0 : i32
    %dma_start3A_894 = tpu.memref_slice %arg5[%mul3A_892, %dma_start3A_893] : memref<3072x256xf32, #tpu.memory_space<hbm>> -> memref<48x256xf32, #tpu.memory_space<hbm>>
    %dma_start3A_895 = arith.constant 0 : i32
    %dma_start3A_896 = tpu.memref_slice %arg5[%mul3A_892, %dma_start3A_895] : memref<3072x256xf32, #tpu.memory_space<hbm>> -> memref<48x256xf32, #tpu.memory_space<hbm>>
    tpu.enqueue_dma source(%arg6 : memref<48x256xf32, #tpu.memory_space<vmem>>) target(%dma_start3A_896 : memref<48x256xf32, #tpu.memory_space<hbm>>) target_semaphore(%arg17 : memref<!tpu.dma_semaphore, #tpu.memory_space<semaphore_mem>>)
    %dma_wait3A = arith.constant 0 : i32
    %dma_wait3A_897 = tpu.memref_slice %arg5[%mul3A_883, %dma_wait3A] : memref<3072x256xf32, #tpu.memory_space<hbm>> -> memref<48x256xf32, #tpu.memory_space<hbm>>
    %dma_wait3A_898 = arith.constant 0 : i32
    %dma_wait3A_899 = tpu.memref_slice %arg5[%mul3A_883, %dma_wait3A_898] : memref<3072x256xf32, #tpu.memory_space<hbm>> -> memref<48x256xf32, #tpu.memory_space<hbm>>
    tpu.wait_dma2 semaphore(%arg17 : memref<!tpu.dma_semaphore, #tpu.memory_space<semaphore_mem>>) src(%arg6 : memref<48x256xf32, #tpu.memory_space<vmem>>) dst(%dma_wait3A_899 : memref<48x256xf32, #tpu.memory_space<hbm>>)
    %dma_wait3A_900 = arith.constant 0 : i32
    %dma_wait3A_901 = tpu.memref_slice %arg5[%mul3A_892, %dma_wait3A_900] : memref<3072x256xf32, #tpu.memory_space<hbm>> -> memref<48x256xf32, #tpu.memory_space<hbm>>
    %dma_wait3A_902 = arith.constant 0 : i32
    %dma_wait3A_903 = tpu.memref_slice %arg5[%mul3A_892, %dma_wait3A_902] : memref<3072x256xf32, #tpu.memory_space<hbm>> -> memref<48x256xf32, #tpu.memory_space<hbm>>
    tpu.wait_dma2 semaphore(%arg17 : memref<!tpu.dma_semaphore, #tpu.memory_space<semaphore_mem>>) src(%arg6 : memref<48x256xf32, #tpu.memory_space<vmem>>) dst(%dma_wait3A_903 : memref<48x256xf32, #tpu.memory_space<hbm>>)
    %dma_start3A_904 = arith.constant 0 : i32
    %dma_start3A_905 = arith.constant 0 : i32
    %dma_start3A_906 = tpu.memref_slice %arg7[%dma_start3A_904, %dma_start3A_905] : memref<4x128xi32, #tpu.memory_space<vmem>> -> memref<1x128xi32, #tpu.memory_space<vmem>>
    %dma_start3A_907 = tpu.memref_squeeze %dma_start3A_906 : memref<1x128xi32, #tpu.memory_space<vmem>> -> memref<128xi32, #tpu.memory_space<vmem>>
    %dma_start3A_908 = arith.constant 0 : i32
    %dma_start3A_909 = arith.constant 0 : i32
    %dma_start3A_910 = tpu.memref_slice %arg5[%dma_start3A_908, %dma_start3A_909] : memref<3072x256xf32, #tpu.memory_space<hbm>> -> memref<3072x256xf32, #tpu.memory_space<hbm>>
    tpu.enqueue_indirect_dma source(%dma_start3A_910 : memref<3072x256xf32, #tpu.memory_space<hbm>>) target(%arg8 : memref<128x256xf32, #tpu.memory_space<vmem>>) offsets(%dma_start3A_907 : memref<128xi32, #tpu.memory_space<vmem>>) semaphore(%arg11 : memref<!tpu.dma_semaphore, #tpu.memory_space<semaphore_mem>>)
    %dma_start3A_911 = arith.constant 1 : i32
    %dma_start3A_912 = arith.constant 0 : i32
    %dma_start3A_913 = tpu.memref_slice %arg7[%dma_start3A_911, %dma_start3A_912] : memref<4x128xi32, #tpu.memory_space<vmem>> -> memref<1x128xi32, #tpu.memory_space<vmem>>
    %dma_start3A_914 = tpu.memref_squeeze %dma_start3A_913 : memref<1x128xi32, #tpu.memory_space<vmem>> -> memref<128xi32, #tpu.memory_space<vmem>>
    %dma_start3A_915 = arith.constant 0 : i32
    %dma_start3A_916 = arith.constant 0 : i32
    %dma_start3A_917 = tpu.memref_slice %arg5[%dma_start3A_915, %dma_start3A_916] : memref<3072x256xf32, #tpu.memory_space<hbm>> -> memref<3072x256xf32, #tpu.memory_space<hbm>>
    tpu.enqueue_indirect_dma source(%dma_start3A_917 : memref<3072x256xf32, #tpu.memory_space<hbm>>) target(%arg9 : memref<128x256xf32, #tpu.memory_space<vmem>>) offsets(%dma_start3A_914 : memref<128xi32, #tpu.memory_space<vmem>>) semaphore(%arg12 : memref<!tpu.dma_semaphore, #tpu.memory_space<semaphore_mem>>)
    %dma_start3A_918 = arith.constant 2 : i32
    %dma_start3A_919 = arith.constant 0 : i32
    %dma_start3A_920 = tpu.memref_slice %arg7[%dma_start3A_918, %dma_start3A_919] : memref<4x128xi32, #tpu.memory_space<vmem>> -> memref<1x128xi32, #tpu.memory_space<vmem>>
    %dma_start3A_921 = tpu.memref_squeeze %dma_start3A_920 : memref<1x128xi32, #tpu.memory_space<vmem>> -> memref<128xi32, #tpu.memory_space<vmem>>
    %dma_start3A_922 = arith.constant 0 : i32
    %dma_start3A_923 = arith.constant 0 : i32
    %dma_start3A_924 = tpu.memref_slice %arg5[%dma_start3A_922, %dma_start3A_923] : memref<3072x256xf32, #tpu.memory_space<hbm>> -> memref<3072x256xf32, #tpu.memory_space<hbm>>
    tpu.enqueue_indirect_dma source(%dma_start3A_924 : memref<3072x256xf32, #tpu.memory_space<hbm>>) target(%arg10 : memref<128x256xf32, #tpu.memory_space<vmem>>) offsets(%dma_start3A_921 : memref<128xi32, #tpu.memory_space<vmem>>) semaphore(%arg13 : memref<!tpu.dma_semaphore, #tpu.memory_space<semaphore_mem>>)
    %dma_wait3A_925 = arith.constant 0 : i32
    %dma_wait3A_926 = arith.constant 0 : i32
    %dma_wait3A_927 = tpu.memref_slice %arg7[%dma_wait3A_925, %dma_wait3A_926] : memref<4x128xi32, #tpu.memory_space<vmem>> -> memref<1x128xi32, #tpu.memory_space<vmem>>
    %dma_wait3A_928 = tpu.memref_squeeze %dma_wait3A_927 : memref<1x128xi32, #tpu.memory_space<vmem>> -> memref<128xi32, #tpu.memory_space<vmem>>
    %dma_wait3A_929 = arith.constant 0 : i32
    %dma_wait3A_930 = arith.constant 0 : i32
    %dma_wait3A_931 = tpu.memref_slice %arg5[%dma_wait3A_929, %dma_wait3A_930] : memref<3072x256xf32, #tpu.memory_space<hbm>> -> memref<3072x256xf32, #tpu.memory_space<hbm>>
    tpu.wait_indirect_dma semaphore(%arg11 : memref<!tpu.dma_semaphore, #tpu.memory_space<semaphore_mem>>) src(%dma_wait3A_931 : memref<3072x256xf32, #tpu.memory_space<hbm>>) dst(%arg8 : memref<128x256xf32, #tpu.memory_space<vmem>>)
    %add3A_932 = arith.constant 0 : i32
    %add3A_933 = arith.addi %mul3A_4, %add3A_932 : i32
    %dma_start3A_934 = arith.constant 0 : i32
    %dma_start3A_935 = tpu.memref_slice %arg4[%add3A_933, %dma_start3A_934] : memref<16384x256xf32, #tpu.memory_space<hbm>> -> memref<128x256xf32, #tpu.memory_space<hbm>>
    %dma_start3A_936 = arith.constant 0 : i32
    %dma_start3A_937 = tpu.memref_slice %arg4[%add3A_933, %dma_start3A_936] : memref<16384x256xf32, #tpu.memory_space<hbm>> -> memref<128x256xf32, #tpu.memory_space<hbm>>
    tpu.enqueue_dma source(%arg8 : memref<128x256xf32, #tpu.memory_space<vmem>>) target(%dma_start3A_937 : memref<128x256xf32, #tpu.memory_space<hbm>>) target_semaphore(%arg14 : memref<!tpu.dma_semaphore, #tpu.memory_space<semaphore_mem>>)
    %dma_wait3A_938 = arith.constant 1 : i32
    %dma_wait3A_939 = arith.constant 0 : i32
    %dma_wait3A_940 = tpu.memref_slice %arg7[%dma_wait3A_938, %dma_wait3A_939] : memref<4x128xi32, #tpu.memory_space<vmem>> -> memref<1x128xi32, #tpu.memory_space<vmem>>
    %dma_wait3A_941 = tpu.memref_squeeze %dma_wait3A_940 : memref<1x128xi32, #tpu.memory_space<vmem>> -> memref<128xi32, #tpu.memory_space<vmem>>
    %dma_wait3A_942 = arith.constant 0 : i32
    %dma_wait3A_943 = arith.constant 0 : i32
    %dma_wait3A_944 = tpu.memref_slice %arg5[%dma_wait3A_942, %dma_wait3A_943] : memref<3072x256xf32, #tpu.memory_space<hbm>> -> memref<3072x256xf32, #tpu.memory_space<hbm>>
    tpu.wait_indirect_dma semaphore(%arg12 : memref<!tpu.dma_semaphore, #tpu.memory_space<semaphore_mem>>) src(%dma_wait3A_944 : memref<3072x256xf32, #tpu.memory_space<hbm>>) dst(%arg9 : memref<128x256xf32, #tpu.memory_space<vmem>>)
    %add3A_945 = arith.constant 128 : i32
    %add3A_946 = arith.addi %mul3A_4, %add3A_945 : i32
    %dma_start3A_947 = arith.constant 0 : i32
    %dma_start3A_948 = tpu.memref_slice %arg4[%add3A_946, %dma_start3A_947] : memref<16384x256xf32, #tpu.memory_space<hbm>> -> memref<128x256xf32, #tpu.memory_space<hbm>>
    %dma_start3A_949 = arith.constant 0 : i32
    %dma_start3A_950 = tpu.memref_slice %arg4[%add3A_946, %dma_start3A_949] : memref<16384x256xf32, #tpu.memory_space<hbm>> -> memref<128x256xf32, #tpu.memory_space<hbm>>
    tpu.enqueue_dma source(%arg9 : memref<128x256xf32, #tpu.memory_space<vmem>>) target(%dma_start3A_950 : memref<128x256xf32, #tpu.memory_space<hbm>>) target_semaphore(%arg15 : memref<!tpu.dma_semaphore, #tpu.memory_space<semaphore_mem>>)
    %dma_wait3A_951 = arith.constant 2 : i32
    %dma_wait3A_952 = arith.constant 0 : i32
    %dma_wait3A_953 = tpu.memref_slice %arg7[%dma_wait3A_951, %dma_wait3A_952] : memref<4x128xi32, #tpu.memory_space<vmem>> -> memref<1x128xi32, #tpu.memory_space<vmem>>
    %dma_wait3A_954 = tpu.memref_squeeze %dma_wait3A_953 : memref<1x128xi32, #tpu.memory_space<vmem>> -> memref<128xi32, #tpu.memory_space<vmem>>
    %dma_wait3A_955 = arith.constant 0 : i32
    %dma_wait3A_956 = arith.constant 0 : i32
    %dma_wait3A_957 = tpu.memref_slice %arg5[%dma_wait3A_955, %dma_wait3A_956] : memref<3072x256xf32, #tpu.memory_space<hbm>> -> memref<3072x256xf32, #tpu.memory_space<hbm>>
    tpu.wait_indirect_dma semaphore(%arg13 : memref<!tpu.dma_semaphore, #tpu.memory_space<semaphore_mem>>) src(%dma_wait3A_957 : memref<3072x256xf32, #tpu.memory_space<hbm>>) dst(%arg10 : memref<128x256xf32, #tpu.memory_space<vmem>>)
    %add3A_958 = arith.constant 256 : i32
    %add3A_959 = arith.addi %mul3A_4, %add3A_958 : i32
    %dma_start3A_960 = arith.constant 0 : i32
    %dma_start3A_961 = tpu.memref_slice %arg4[%add3A_959, %dma_start3A_960] : memref<16384x256xf32, #tpu.memory_space<hbm>> -> memref<128x256xf32, #tpu.memory_space<hbm>>
    %dma_start3A_962 = arith.constant 0 : i32
    %dma_start3A_963 = tpu.memref_slice %arg4[%add3A_959, %dma_start3A_962] : memref<16384x256xf32, #tpu.memory_space<hbm>> -> memref<128x256xf32, #tpu.memory_space<hbm>>
    tpu.enqueue_dma source(%arg10 : memref<128x256xf32, #tpu.memory_space<vmem>>) target(%dma_start3A_963 : memref<128x256xf32, #tpu.memory_space<hbm>>) target_semaphore(%arg16 : memref<!tpu.dma_semaphore, #tpu.memory_space<semaphore_mem>>)
    %dma_wait3A_964 = arith.constant 0 : i32
    %dma_wait3A_965 = tpu.memref_slice %arg4[%add3A_933, %dma_wait3A_964] : memref<16384x256xf32, #tpu.memory_space<hbm>> -> memref<128x256xf32, #tpu.memory_space<hbm>>
    %dma_wait3A_966 = arith.constant 0 : i32
    %dma_wait3A_967 = tpu.memref_slice %arg4[%add3A_933, %dma_wait3A_966] : memref<16384x256xf32, #tpu.memory_space<hbm>> -> memref<128x256xf32, #tpu.memory_space<hbm>>
    tpu.wait_dma2 semaphore(%arg14 : memref<!tpu.dma_semaphore, #tpu.memory_space<semaphore_mem>>) src(%arg8 : memref<128x256xf32, #tpu.memory_space<vmem>>) dst(%dma_wait3A_967 : memref<128x256xf32, #tpu.memory_space<hbm>>)
    %dma_start3A_968 = arith.constant 3 : i32
    %dma_start3A_969 = arith.constant 0 : i32
    %dma_start3A_970 = tpu.memref_slice %arg7[%dma_start3A_968, %dma_start3A_969] : memref<4x128xi32, #tpu.memory_space<vmem>> -> memref<1x128xi32, #tpu.memory_space<vmem>>
    %dma_start3A_971 = tpu.memref_squeeze %dma_start3A_970 : memref<1x128xi32, #tpu.memory_space<vmem>> -> memref<128xi32, #tpu.memory_space<vmem>>
    %dma_start3A_972 = arith.constant 0 : i32
    %dma_start3A_973 = arith.constant 0 : i32
    %dma_start3A_974 = tpu.memref_slice %arg5[%dma_start3A_972, %dma_start3A_973] : memref<3072x256xf32, #tpu.memory_space<hbm>> -> memref<3072x256xf32, #tpu.memory_space<hbm>>
    tpu.enqueue_indirect_dma source(%dma_start3A_974 : memref<3072x256xf32, #tpu.memory_space<hbm>>) target(%arg8 : memref<128x256xf32, #tpu.memory_space<vmem>>) offsets(%dma_start3A_971 : memref<128xi32, #tpu.memory_space<vmem>>) semaphore(%arg11 : memref<!tpu.dma_semaphore, #tpu.memory_space<semaphore_mem>>)
    %dma_wait3A_975 = arith.constant 3 : i32
    %dma_wait3A_976 = arith.constant 0 : i32
    %dma_wait3A_977 = tpu.memref_slice %arg7[%dma_wait3A_975, %dma_wait3A_976] : memref<4x128xi32, #tpu.memory_space<vmem>> -> memref<1x128xi32, #tpu.memory_space<vmem>>
    %dma_wait3A_978 = tpu.memref_squeeze %dma_wait3A_977 : memref<1x128xi32, #tpu.memory_space<vmem>> -> memref<128xi32, #tpu.memory_space<vmem>>
    %dma_wait3A_979 = arith.constant 0 : i32
    %dma_wait3A_980 = arith.constant 0 : i32
    %dma_wait3A_981 = tpu.memref_slice %arg5[%dma_wait3A_979, %dma_wait3A_980] : memref<3072x256xf32, #tpu.memory_space<hbm>> -> memref<3072x256xf32, #tpu.memory_space<hbm>>
    tpu.wait_indirect_dma semaphore(%arg11 : memref<!tpu.dma_semaphore, #tpu.memory_space<semaphore_mem>>) src(%dma_wait3A_981 : memref<3072x256xf32, #tpu.memory_space<hbm>>) dst(%arg8 : memref<128x256xf32, #tpu.memory_space<vmem>>)
    %add3A_982 = arith.constant 384 : i32
    %add3A_983 = arith.addi %mul3A_4, %add3A_982 : i32
    %dma_start3A_984 = arith.constant 0 : i32
    %dma_start3A_985 = tpu.memref_slice %arg4[%add3A_983, %dma_start3A_984] : memref<16384x256xf32, #tpu.memory_space<hbm>> -> memref<128x256xf32, #tpu.memory_space<hbm>>
    %dma_start3A_986 = arith.constant 0 : i32
    %dma_start3A_987 = tpu.memref_slice %arg4[%add3A_983, %dma_start3A_986] : memref<16384x256xf32, #tpu.memory_space<hbm>> -> memref<128x256xf32, #tpu.memory_space<hbm>>
    tpu.enqueue_dma source(%arg8 : memref<128x256xf32, #tpu.memory_space<vmem>>) target(%dma_start3A_987 : memref<128x256xf32, #tpu.memory_space<hbm>>) target_semaphore(%arg14 : memref<!tpu.dma_semaphore, #tpu.memory_space<semaphore_mem>>)
    %dma_wait3A_988 = arith.constant 0 : i32
    %dma_wait3A_989 = tpu.memref_slice %arg4[%add3A_946, %dma_wait3A_988] : memref<16384x256xf32, #tpu.memory_space<hbm>> -> memref<128x256xf32, #tpu.memory_space<hbm>>
    %dma_wait3A_990 = arith.constant 0 : i32
    %dma_wait3A_991 = tpu.memref_slice %arg4[%add3A_946, %dma_wait3A_990] : memref<16384x256xf32, #tpu.memory_space<hbm>> -> memref<128x256xf32, #tpu.memory_space<hbm>>
    tpu.wait_dma2 semaphore(%arg15 : memref<!tpu.dma_semaphore, #tpu.memory_space<semaphore_mem>>) src(%arg9 : memref<128x256xf32, #tpu.memory_space<vmem>>) dst(%dma_wait3A_991 : memref<128x256xf32, #tpu.memory_space<hbm>>)
    %dma_wait3A_992 = arith.constant 0 : i32
    %dma_wait3A_993 = tpu.memref_slice %arg4[%add3A_959, %dma_wait3A_992] : memref<16384x256xf32, #tpu.memory_space<hbm>> -> memref<128x256xf32, #tpu.memory_space<hbm>>
    %dma_wait3A_994 = arith.constant 0 : i32
    %dma_wait3A_995 = tpu.memref_slice %arg4[%add3A_959, %dma_wait3A_994] : memref<16384x256xf32, #tpu.memory_space<hbm>> -> memref<128x256xf32, #tpu.memory_space<hbm>>
    tpu.wait_dma2 semaphore(%arg16 : memref<!tpu.dma_semaphore, #tpu.memory_space<semaphore_mem>>) src(%arg10 : memref<128x256xf32, #tpu.memory_space<vmem>>) dst(%dma_wait3A_995 : memref<128x256xf32, #tpu.memory_space<hbm>>)
    %dma_wait3A_996 = arith.constant 0 : i32
    %dma_wait3A_997 = tpu.memref_slice %arg4[%add3A_983, %dma_wait3A_996] : memref<16384x256xf32, #tpu.memory_space<hbm>> -> memref<128x256xf32, #tpu.memory_space<hbm>>
    %dma_wait3A_998 = arith.constant 0 : i32
    %dma_wait3A_999 = tpu.memref_slice %arg4[%add3A_983, %dma_wait3A_998] : memref<16384x256xf32, #tpu.memory_space<hbm>> -> memref<128x256xf32, #tpu.memory_space<hbm>>
    tpu.wait_dma2 semaphore(%arg14 : memref<!tpu.dma_semaphore, #tpu.memory_space<semaphore_mem>>) src(%arg8 : memref<128x256xf32, #tpu.memory_space<vmem>>) dst(%dma_wait3A_999 : memref<128x256xf32, #tpu.memory_space<hbm>>)
    return
  }
}

module attributes {stable_mosaic.version = 14 : i64} {
  func.func @_mlp_body(%arg0: memref<48x256xf32, #tpu.memory_space<vmem>>, %arg1: memref<256x512xf32, #tpu.memory_space<vmem>>, %arg2: memref<1x512xf32, #tpu.memory_space<vmem>>, %arg3: memref<512x256xf32, #tpu.memory_space<vmem>>, %arg4: memref<1x256xf32, #tpu.memory_space<vmem>>, %arg5: memref<48x256xf32, #tpu.memory_space<vmem>>) attributes {dimension_semantics = [], scalar_prefetch = 0 : i64, scratch_operands = 0 : i64, tpu.core_type = #tpu.core_type<tc>} {
    %get3A = arith.constant 0 : index
    %get3A_0 = arith.constant 0 : index
    %get3A_1 = vector.load %arg0[%get3A, %get3A_0] : memref<48x256xf32, #tpu.memory_space<vmem>>, vector<48x256xf32>
    %get3A_2 = arith.constant 0 : index
    %get3A_3 = arith.constant 0 : index
    %get3A_4 = vector.load %arg1[%get3A_2, %get3A_3] : memref<256x512xf32, #tpu.memory_space<vmem>>, vector<256x512xf32>
    %dot_general3A = arith.constant dense<0.000000e+00> : vector<48x512xf32>
    %dot_general3A_5 = tpu.matmul %get3A_1, %get3A_4, %dot_general3A {dimension_numbers = #tpu.dot_dimension_numbers<[1], [0], [0], [1], [0, 0, 1, 1], [], []>, transpose_lhs_hint = false} : vector<48x256xf32>, vector<256x512xf32>, vector<48x512xf32> -> vector<48x512xf32>
    %get3A_6 = arith.constant 0 : index
    %get3A_7 = arith.constant 0 : index
    %get3A_8 = vector.load %arg2[%get3A_6, %get3A_7] : memref<1x512xf32, #tpu.memory_space<vmem>>, vector<1x512xf32>
    %add3A = vector.broadcast %get3A_8 : vector<1x512xf32> to vector<48x512xf32>
    %add3A_9 = arith.addf %dot_general3A_5, %add3A : vector<48x512xf32>
    %mul3A = arith.constant 5.000000e-01 : f32
    %mul3A_10 = vector.broadcast %mul3A : f32 to vector<48x512xf32>
    %mul3A_11 = arith.mulf %mul3A_10, %add3A_9 : vector<48x512xf32>
    %mul3A_12 = arith.constant 0.707106769 : f32
    %mul3A_13 = vector.broadcast %mul3A_12 : f32 to vector<48x512xf32>
    %mul3A_14 = arith.mulf %add3A_9, %mul3A_13 : vector<48x512xf32>
    %erf3A = math.erf %mul3A_14 : vector<48x512xf32>
    %add3A_15 = arith.constant 1.000000e+00 : f32
    %add3A_16 = vector.broadcast %add3A_15 : f32 to vector<48x512xf32>
    %add3A_17 = arith.addf %add3A_16, %erf3A : vector<48x512xf32>
    %mul3A_18 = arith.mulf %mul3A_11, %add3A_17 : vector<48x512xf32>
    %get3A_19 = arith.constant 0 : index
    %get3A_20 = arith.constant 0 : index
    %get3A_21 = vector.load %arg3[%get3A_19, %get3A_20] : memref<512x256xf32, #tpu.memory_space<vmem>>, vector<512x256xf32>
    %dot_general3A_22 = arith.constant dense<0.000000e+00> : vector<48x256xf32>
    %dot_general3A_23 = tpu.matmul %mul3A_18, %get3A_21, %dot_general3A_22 {dimension_numbers = #tpu.dot_dimension_numbers<[1], [0], [0], [1], [0, 0, 1, 1], [], []>, transpose_lhs_hint = false} : vector<48x512xf32>, vector<512x256xf32>, vector<48x256xf32> -> vector<48x256xf32>
    %get3A_24 = arith.constant 0 : index
    %get3A_25 = arith.constant 0 : index
    %get3A_26 = vector.load %arg4[%get3A_24, %get3A_25] : memref<1x256xf32, #tpu.memory_space<vmem>>, vector<1x256xf32>
    %add3A_27 = vector.broadcast %get3A_26 : vector<1x256xf32> to vector<48x256xf32>
    %add3A_28 = arith.addf %dot_general3A_23, %add3A_27 : vector<48x256xf32>
    %swap3A = arith.constant 0 : index
    %swap3A_29 = arith.constant 0 : index
    %swap3A_30 = vector.load %arg5[%swap3A, %swap3A_29] : memref<48x256xf32, #tpu.memory_space<vmem>>, vector<48x256xf32>
    tpu.vector_store %arg5[%swap3A, %swap3A_29], %add3A_28 {strides = array<i32>} : memref<48x256xf32, #tpu.memory_space<vmem>>, vector<48x256xf32>,
    return
  }
}

</mosaic_0001>

<sc_bundles>
// kernel: kernel.4.cloned.1.call-start
scs
__scs_entry_jumppad:
0x0: {  	(pc) =	sbr.rel $0x88, $3  }
0x1: {  	(tag) =	ssettag $0x0;
	lr =	simm.s32 $0x1  }
0x2: {  	[smem:$0x3F9B] =	sst lr;
	_ =	strace $0xD0000000  }
0x3: {  	_ = 	snop  }
0x4: {  	_ = 	snop  }
0x5: {  	_ = 	snop  }
0x6: {  	_ = 	snop  }
0x7: {  	_ = 	snop  }
__scs_overlays_trampoline_lowered:
0x8: {  	[smem:$0x3FAA] =	sst s0  }
0x9: {  	[smem:$0x3FAB] =	sst s1  }
0xa: {  	[smem:$0x3FAC] =	sst s2  }
0xb: {  	[smem:$0x3FAD] =	sst s3  }
0xc: {  	[smem:$0x3FAE] =	sst s4  }
0xd: {  	[smem:$0x3FAF] =	sst s5  }
0xe: {  	[smem:$0x3FB0] =	sst s6  }
0xf: {  	[smem:$0x3FB1] =	sst s7  }
0x10: {  	[smem:$0x3FB2] =	sst s8  }
0x11: {  	[smem:$0x3FB3] =	sst s9;
	s0 =	simm.s32 @!p0 $0x0  }
0x12: {  	s1 =	sld [smem:$0x3F99];
	s0 =	simm.s32 @p0 $0x1  }
0x13: {  	[smem:$0x3FB4] =	sst s0;
	s0 =	simm.s32 @!p1 $0x0  }
0x14: {  	s2 =	sld [smem:$0x3F98];
	s0 =	simm.s32 @p1 $0x1  }
0x15: {  	[smem:$0x3FB5] =	sst s0;
	s0 =	simm.s32 @!p2 $0x0  }
0x16: {  	s3 =	sld [smem:$0x3FDB];
	s0 =	simm.s32 @p2 $0x1  }
0x17: {  	s4 =	simm.s32 $0x1BF5;
	[smem:$0x3FB7] =	sst s0  }
0x18: {  	s0 =	sld [smem:$0x3F9A];
	_ =	swait.ge [sflag:s4], $0x0  }
0x19: {  	s7 =	sld [smem:$0x3F9B]  }
0x1a: {  	s8 =	sadd.s32 $0xFFFFE003, lr  }
0x1b: {  	s9 =	sadd.s32 $0xFFFFFEF7, lr;
	s5 =	simm.s32 $0xFFFFFFFF;
	p2 =	slt.u32 s8, $0xFFFFF086  }
0x1c: {  	p1 =	slt.u32 s9, $0xF7A;
	s5 =	simm.s32 @!p2 $0x0  }
0x1d: {  	s5 =	simm.s32 @p1 $0x1;
	p0 =	seq.s32 s7, s2  }
0x1e: {  	s7 =	smul.u32 @!p0 $0xF7A, s2;
	p2 =	seq.s32 @!p0 s5, $0x0  }
0x1f: {  	s9 =	smul.u32 $0xF7A, s1;
	s8 =	simm.s32 @!p0 $0x1BF5;
	p2 =	por !p2, p0  }
0x20: {  	[sflag:s8] =	ssyncset.s32 @!p0 $0xFFFFF086;
	s6 =	sadd.s32 @!p0 s3, s7;
	s7 =	simm.s32 @!p0 $0x108  }
0x21: {  	s3 =	sadd.s32 s3, s9;
	s6 =	sadd.s32 @!p0 $0x88, s6;
	s7 =	simm.s32 @p2 $0x1082  }
0x22: {  	[simem:s7], [sflag:s8] =	dma.local @!p0 [hbm:s6], $0xF7A  }
0x23: {  	s9 =	sor.u32 $0xD0000000, s2;
	s6 =	simm.s32 $0x108;
	_ =	swait.ge @!p0 [sflag:s8], $0x0  }
0x24: {  	s3 =	sadd.s32 $0x88, s3;
	s6 =	simm.s32 @!p1 $0x1082;
	[sflag:s4] =	ssyncset.s32 $0xFFFFF086  }
0x25: {  	[simem:s6], [sflag:s4] =	dma.local [hbm:s3], $0xF7A  }
0x26: {  	[smem:$0x3F9B] =	sst s1;
	(tag) =	ssettag s2;
	_ =	strace s9  }
0x27: {  	s1 =	sld [smem:$0x3FAB]  }
0x28: {  	s2 =	sld [smem:$0x3FAC]  }
0x29: {  	s4 =	sld [smem:$0x3FAE]  }
0x2a: {  	p0 =	seq.s32 s5, $0x0;
	s5 =	sld [smem:$0x3FAF]  }
0x2b: {  	s6 =	sld [smem:$0x3FB0]  }
0x2c: {  	s7 =	sld [smem:$0x3FB1]  }
0x2d: {  	s3 =	simm.s32 $0x108;
	s8 =	sld [smem:$0x3FB2]  }
0x2e: {  	s3 =	simm.s32 @!p0 $0x1082;
	s9 =	sld [smem:$0x3FB3]  }
0x2f: {  	lr =	sadd.s32 s0, s3;
	s0 =	sld [smem:$0x3FAA]  }
0x30: {  	s3 =	sld [smem:$0x3FAD]  }
0x31: {  	[smem:$0x3FB6] =	sst s10  }
0x32: {  	s10 =	sld [smem:$0x3FB4];
	_ =	sdelay $0x3  }
0x33: {  	p0 =	seq.s32 s10, $0x1;
	s10 =	sld [smem:$0x3FB6];
	_ =	sdelay $0x3  }
0x34: {  	[smem:$0x3FB6] =	sst s10  }
0x35: {  	s10 =	sld [smem:$0x3FB5];
	_ =	sdelay $0x3  }
0x36: {  	p1 =	seq.s32 s10, $0x1;
	s10 =	sld [smem:$0x3FB6];
	_ =	sdelay $0x3  }
0x37: {  	[smem:$0x3FB6] =	sst s10  }
0x38: {  	s10 =	sld [smem:$0x3FB7]  }
0x39: {  	_ = 	snop;
	(pc) =	sbr.ind lr, $3  }
0x3a: {  	_ = 	snop  }
0x3b: {  	_ = 	snop  }
0x3c: {  	p2 =	seq.s32 s10, $0x1;
	s10 =	sld [smem:$0x3FB6]  }
0x3d: {  	_ =	shalt  }
0x3e: {  	_ =	shalt  }
0x3f: {  	_ =	shalt  }
0x40: {  	_ =	shalt  }
0x41: {  	_ =	shalt  }
0x42: {  	_ =	shalt  }
0x43: {  	_ =	shalt  }
0x44: {  	_ =	shalt  }
0x45: {  	_ =	shalt  }
0x46: {  	_ =	shalt  }
0x47: {  	_ =	shalt  }
0x48: {  	_ =	shalt  }
0x49: {  	_ =	shalt  }
0x4a: {  	_ =	shalt  }
0x4b: {  	_ =	shalt  }
0x4c: {  	_ =	shalt  }
0x4d: {  	_ =	shalt  }
0x4e: {  	_ =	shalt  }
0x4f: {  	_ =	shalt  }
0x50: {  	_ =	shalt  }
0x51: {  	_ =	shalt  }
0x52: {  	_ =	shalt  }
0x53: {  	_ =	shalt  }
0x54: {  	_ =	shalt  }
0x55: {  	_ =	shalt  }
0x56: {  	_ =	shalt  }
0x57: {  	_ =	shalt  }
0x58: {  	_ =	shalt  }
0x59: {  	_ =	shalt  }
0x5a: {  	_ =	shalt  }
0x5b: {  	_ =	shalt  }
0x5c: {  	_ =	shalt  }
0x5d: {  	_ =	shalt  }
0x5e: {  	_ =	shalt  }
0x5f: {  	_ =	shalt  }
0x60: {  	_ =	shalt  }
0x61: {  	_ =	shalt  }
0x62: {  	_ =	shalt  }
0x63: {  	_ =	shalt  }
0x64: {  	_ =	shalt  }
0x65: {  	_ =	shalt  }
0x66: {  	_ =	shalt  }
0x67: {  	_ =	shalt  }
0x68: {  	_ =	shalt  }
0x69: {  	_ =	shalt  }
0x6a: {  	_ =	shalt  }
0x6b: {  	_ =	shalt  }
0x6c: {  	_ =	shalt  }
0x6d: {  	_ =	shalt  }
0x6e: {  	_ =	shalt  }
0x6f: {  	_ =	shalt  }
0x70: {  	_ =	shalt  }
0x71: {  	_ =	shalt  }
0x72: {  	_ =	shalt  }
0x73: {  	_ =	shalt  }
0x74: {  	_ =	shalt  }
0x75: {  	_ =	shalt  }
0x76: {  	_ =	shalt  }
0x77: {  	_ =	shalt  }
0x78: {  	_ =	shalt  }
0x79: {  	_ =	shalt  }
0x7a: {  	_ =	shalt  }
0x7b: {  	_ =	shalt  }
0x7c: {  	_ =	shalt  }
0x7d: {  	_ =	shalt  }
0x7e: {  	_ =	shalt  }
0x7f: {  	_ =	shalt  }
0x80: {  	_ =	shalt  }
0x81: {  	_ =	shalt  }
0x82: {  	_ =	shalt  }
0x83: {  	_ =	shalt  }
0x84: {  	_ =	shalt  }
0x85: {  	_ =	shalt  }
0x86: {  	_ =	shalt  }
0x87: {  	_ =	shalt  }
.Lfunc_end0:
.L_simem_size_0:
called_computation_lowered:
.L_overlay_start_0:
0x88: {  	s2 =	sld [smem:$0x3FD9]  }
0x89: {  	s3 =	sld [smem:$0x3FFE];
	_ =	sdelay $0x1  }
0x8a: {  	s1 =	srdreg.scid  }
0x8b: {  	s0 =	sand.u32 $0x1, s1  }
0x8c: {  	s17 =	sshll.u32 s0, $0xA;
	s2 =	sadd.s32 s3, s2  }
0x8d: {  	s2 =	sadd.s32 s2, s17  }
0x8e: {  	[smem:$0x3FC2] =	sst s2  }
0x8f: {  	_ = 	snop  }
0x90: {  	s2 =	sld [smem:$0x3FC9]  }
0x91: {  	s18 =	sld [smem:$0x3FD0];
	(tm) =	ssettm $0x1  }
0x92: {  	s4 =	sld [smem:$0x3FFB];
	_ =	sdelay $0x3  }
0x93: {  	_ =	strace s4  }
0x94: {  	s4 =	sld [smem:$0x3FFC];
	_ =	sdelay $0x3  }
0x95: {  	_ =	strace s4  }
0x96: {  	s4 =	sld [smem:$0x3FFD];
	_ =	sdelay $0x3  }
0x97: {  	_ =	strace s4  }
0x98: {  	_ =	strace $0x8FFFFFFF  }
0x99: {  	s19 =	sld [smem:$0x3FDB];
	_ =	sdelay $0x1  }
0x9a: {  	s5 =	simm.s32 $_scs_section_size  }
0x9b: {  	s6 =	simm.s32 $_size__tile_overlayer_lowered;
	s7 =	simm.s32 $_tile_overlayer_lowered  }
0x9c: {  	s22 =	simm.s32 $0x1BFF;
	s21 =	sshll.u32 s7, $0x1;
	s4 =	sadd.s32 s5, s19  }
0x9d: {  	s8 =	simm.s32 $0x0;
	s20 =	sshll.u32 s6, $0x1;
	s6 =	sadd.s32 s21, s4  }
0x9e: {  	[timem:s8], [sflag:s22] =	dma.local [hbm:s6], s20  }
0x9f: {  	_ =	swait.ge [sflag:s22], s20  }
0xa0: {  	s5 =	ssub.s32 $0x0, s20;
	[sflag:s22] =	ssyncset.done $0x0  }
0xa1: {  	[sflag:s22] =	ssyncadd.s32 s5;
	_ =	sdelay $0x1  }
0xa2: {  	s23 =	simm.s32 $0x1B8B  }
0xa3: {  	_ =	swait.ge [sflag:s23], $0x1  }
0xa4: {  	[sflag:s23] =	ssyncset.done $0x0  }
0xa5: {  	s25 =	simm.s32 $0x1B8E;
	s24 =	sld [smem:$0x3FFE];
	[sflag:s23] =	ssyncadd.s32 $0xFFFFFFFF  }
0xa6: {  	s26 =	simm.s32 $execute0_lowered;
	[smem:$0x3FD2] =	sst s25  }
0xa7: {  	s6 =	sshll.u32 s26, $0x1;
	_ =	strace $0x80000046;
	[dreg:$0x1] =	wrdreg $0xFFFFFFFF  }
0xa8: {  	s28 =	simm.s32 $_size_execute0_lowered;
	s4 =	sadd.s32 s4, s6;
	[dreg:$0x0] =	wrdreg $0x0  }
0xa9: {  	s6 =	sshll.u32 s28, $0x1;
	[dreg:$0x2] =	wrdreg s4  }
0xaa: {  	[dreg:$0x3] =	wrdreg s6  }
0xab: {  	[dreg:$0x4] =	wrdreg $0xC0  }
0xac: {  	_ =	task [dreg:s8], $0x5FFFF  }
0xad: {  	[dreg:$0x1] =	wrdreg $0xFFFFFFFF  }
0xae: {  	[dreg:$0x0] =	wrdreg $0x60  }
0xaf: {  	[dreg:$0x2] =	wrdreg s2  }
0xb0: {  	[dreg:$0x3] =	wrdreg s24  }
0xb1: {  	[dreg:$0x4] =	wrdreg s18  }
0xb2: {  	[dreg:$0x5] =	wrdreg $0x9  }
0xb3: {  	_ =	task.clear_ibuf [dreg:s8], $0x6FFFF;
	_ =	strace $0x90000046  }
0xb4: {  	s29 =	simm.s32 $0x9;
	_ =	strace $0x80000048  }
0xb5: {  	_ =	swait.ge [sflag:s29], $0x1  }
0xb6: {  	[sflag:s29] =	ssyncadd.s32 $0xFFFFFFFF  }
0xb7: {  	_ =	strace $0x90000048  }
0xb8: {  	_ =	sfence  }
0xb9: {  	s30 =	sld [smem:$0x0];
	_ =	sdelay $0x2  }
0xba: {  	s31 =	sshll.u32 s1, $0xD;
	s1 =	sshrl.u32 s1, $0x2  }
0xbb: {  	s3 =	sand.u32 $0x4000, s31;
	s1 =	sadd.s32 s1, s30  }
0xbc: {  	s0 =	sor.u32 s3, s0;
	s1 =	sshll.u32 s1, $0x11  }
0xbd: {  	s0 =	sor.u32 s1, s0  }
0xbe: {  	s0 =	sadd.s32 $0x8F2B, s0  }
0xbf: {  	[sflag:s0] =	ssyncadd.remote.s32 $0x1  }
0xc0: {  	_ =	sfence.sel $0xFFFF  }
0xc1: {  	[dreg:$0x0] =	wrdreg $0xFFFFFFFF;
	(pc) =	sbr.abs _section_cstart, $3  }
0xc2: {  	[dreg:$0x1] =	wrdreg $0xFFFFFFFF  }
0xc3: {  	_ =	task.clear_ibuf [dreg:s8], $0x2FFFF;
	_ =	strace $0x9FFFFFFF  }
0xc4: {  	(tm) =	ssettm $0x7FFFFFFF  }
0xc5: {  	_ =	shalt  }
tec
execute0_lowered:
.L_overlay_start_1:
0x0: {  	(tag) =	ssettag $0x1  }
0x1: {  	s5 =	rddreg [dreg:$0x0]  }
0x2: {  	s3 =	rddreg [dreg:$0x1]  }
0x3: {  	s6 =	rddreg [dreg:$0x2]  }
0x4: {  	s0 =	srdreg.scid;
	s1 =	stileid.u32;
	s2 =	simm.s32 $0x0  }
0x5: {  	s25 =	simm.s32 $0x3000;
	s26 =	simm.s32 $0x3080;
	s28 =	simm.s32 $0x2  }
0x6: {  	s29 =	simm.s32 $0x3;
	[smem:$0x7FF] =	sst s2;
	s8 =	sadd.s32 $0x1200, s3  }
0x7: {  	s30 =	simm.s32 $0x4;
	_ =	strace $0x80000047;
	[dreg:$0x4] =	wrdreg s8  }
0x8: {  	s4 =	sand.u32 $0x1, s0;
	s10 =	sshll.u32 s1, $0x1;
	[dreg:$0xf] =	wrdreg s25  }
0x9: {  	s1 =	simm.s32 $0x3100;
	s0 =	sor.u32 s4, s10;
	[dreg:$0x10] =	wrdreg s26  }
0xa: {  	[dreg:$0x11] =	wrdreg s1;
	s25 =	simm.s32 $0x14A00;
	s26 =	simm.s32 $0x1AA00  }
0xb: {  	s7 =	sshll.u32 s0, $0x9;
	s9 =	sshll.u32 s0, $0x6;
	[smem:$0x7F1] =	sst s25  }
0xc: {  	s19 =	sshll.u32 s0, $0xE;
	[smem:$0x7FD] =	sst s26;
	s11 =	sadd.s32 s5, s9  }
0xd: {  	s10 =	sor.u32 $0x80, s7;
	s20 =	sadd.s32 s6, s19;
	[dreg:$0x5] =	wrdreg s11  }
0xe: {  	s19 =	simm.s32 $0x11200;
	s12 =	sshrl.u32 s10, $0x3;
	[dreg:$0xb] =	wrdreg s20  }
0xf: {  	s21 =	sshll.u32 s10, $0x5;
	s10 =	simm.s32 $0xD200;
	[dreg:$0x1e] =	wrdreg s19  }
0x10: {  	s31 =	simm.s32 $0x5;
	s20 =	simm.s32 $0x11A00;
	[dreg:$0x16] =	wrdreg s10  }
0x11: {  	s14 =	sor.u32 $0x100, s7;
	s19 =	simm.s32 $0x17A00;
	[dreg:$0x1f] =	wrdreg s20  }
0x12: {  	s15 =	sshrl.u32 s14, $0x3;
	s13 =	sadd.s32 s5, s12;
	[smem:$0x7F7] =	sst s19  }
0x13: {  	s3 =	sadd.s32 $0x1800, s3;
	s9 =	sadd.s32 s5, s15;
	[dreg:$0x6] =	wrdreg s13  }
0x14: {  	s8 =	sshll.u32 s14, $0x5;
	s22 =	sadd.s32 s6, s21;
	[dreg:$0x7] =	wrdreg s9  }
0x15: {  	s4 =	ssub.s32 $0x2, s4;
	s23 =	sadd.s32 s6, s8;
	[dreg:$0xc] =	wrdreg s22  }
0x16: {  	s26 =	simm.s32 $0x1;
	s8 =	simm.s32 $0xC200;
	[dreg:$0xd] =	wrdreg s23  }
0x17: {  	s7 =	sor.u32 $0x180, s7;
	s15 =	simm.s32 $0xF200;
	[dreg:$0x14] =	wrdreg s8  }
0x18: {  	s14 =	sshrl.u32 s4, $0x1;
	s21 =	simm.s32 $0x12200;
	[dreg:$0x1a] =	wrdreg s15  }
0x19: {  	s4 =	ssub.s32 s4, s14;
	s14 =	simm.s32 $0x15200;
	[smem:$0x7ED] =	sst s21  }
0x1a: {  	s12 =	sshrl.u32 s7, $0x3;
	s20 =	simm.s32 $0x18200;
	[smem:$0x7F2] =	sst s14  }
0x1b: {  	s7 =	sshll.u32 s7, $0x5;
	s5 =	sadd.s32 s5, s12;
	[smem:$0x7F8] =	sst s20  }
0x1c: {  	s25 =	simm.s32 $0xB200;
	s24 =	sadd.s32 s6, s7;
	[dreg:$0x8] =	wrdreg s5  }
0x1d: {  	s11 =	smul.u32 $0x6000, s0;
	s6 =	simm.s32 $0x3180;
	[dreg:$0xe] =	wrdreg s24  }
0x1e: {  	s19 =	simm.s32 $0x8200;
	s7 =	simm.s32 $0xBA00;
	[dreg:$0x12] =	wrdreg s6  }
0x1f: {  	s16 =	sshrl.u32 s11, $0x3;
	s11 =	simm.s32 $0xDA00;
	[dreg:$0x13] =	wrdreg s7  }
0x20: {  	s13 =	smul.u32 $0xC00, s0;
	s12 =	simm.s32 $0xE200;
	[dreg:$0x17] =	wrdreg s11  }
0x21: {  	s0 =	smul.u32 $0x60, s0;
	s22 =	simm.s32 $0x12A00;
	[dreg:$0x18] =	wrdreg s12  }
0x22: {  	s4 =	smax.u32 s4, $0x1;
	s23 =	simm.s32 $0x13A00;
	[smem:$0x7EE] =	sst s22  }
0x23: {  	s8 =	simm.s32 $0x3200;
	s15 =	simm.s32 $0x15A00;
	[smem:$0x7EF] =	sst s23  }
0x24: {  	s21 =	simm.s32 $0x18A00;
	s14 =	simm.s32 $0x5A00;
	[smem:$0x7F3] =	sst s15  }
0x25: {  	s9 =	sadd.s32 s3, s16;
	s16 =	simm.s32 $0xFA00;
	[smem:$0x7F9] =	sst s21  }
0x26: {  	s20 =	simm.s32 $0x8A00;
	s24 =	simm.s32 $0x14200;
	[dreg:$0x1b] =	wrdreg s16  }
0x27: {  	s5 =	simm.s32 $0x9;
	s22 =	simm.s32 $0x19200;
	[smem:$0x7F0] =	sst s24  }
0x28: {  	s7 =	simm.s32 $0x7;
	s23 =	simm.s32 $0x19A00;
	[smem:$0x7FA] =	sst s22  }
0x29: {  	v0 =	vimm.f32 $6.000000000e+00;
	s11 =	simm.s32 $0x4200;
	s17 =	sadd.s32 s3, s13;
	[smem:$0x7FB] =	sst s23  }
0x2a: {  	v4 =	vlaneseq.u32;
	(erf) = vrcp.f32 v0;
	s12 =	simm.s32 $0x4A00;
	s18 =	sadd.s32 $0x600, s9;
	[dreg:$0x9] =	wrdreg s17  }
0x2b: {  	v0 =	vand.u32 $0x1, v4;
	s15 =	simm.s32 $0x6200;
	s9 =	simm.s32 $0xCA00;
	[dreg:$0xa] =	wrdreg s18  }
0x2c: {  	v0 =	vmul.u32 $0x30, v0;
	s21 =	simm.s32 $0x9200;
	s13 =	simm.s32 $0xEA00;
	[dreg:$0x15] =	wrdreg s9  }
0x2d: {  	s16 =	simm.s32 $0x16200;
	s24 =	simm.s32 $0x1A200;
	[dreg:$0x19] =	wrdreg s13  }
0x2e: {  	v0 =	vadd.s32 s0, v0;
	s0 =	simm.s32 $0x6;
	s22 =	simm.s32 $0x9A00;
	[smem:$0x7F4] =	sst s16  }
0x2f: {  	s23 =	simm.s32 $0xA200;
	s17 =	simm.s32 $0x10200;
	[smem:$0x7FC] =	sst s24  }
0x30: {  	s18 =	simm.s32 $0x10A00;
	s13 =	simm.s32 $0x5200;
	[dreg:$0x1c] =	wrdreg s17  }
0x31: {  	s16 =	simm.s32 $0x6A00;
	[dreg:$0x1d] =	wrdreg s18;
	s17 =	simm.s32 $0x16A00  }
0x32: {  	vm0 =	vmmov $0xffff;
	v3 =	vshrl.u32 v4, $0x3;
	s24 =	simm.s32 $0xAA00;
	s18 =	simm.s32 $0x17200;
	[smem:$0x7F5] =	sst s17  }
0x33: {  	v1 =	vand.u32 $0x7, v4;
	v3 =	vmul.u32 $0x8, v3;
	v4 =	vor.u32 $0x8, v4;
	[smem:$0x7F6] =	sst s18;
	v2 =	vpop (erf);
	s17 =	simm.s32 $0x7200;
	s18 =	simm.s32 $0x7A00  }
.LBB2_1:
0x34: {  	s1 =	rddreg [dreg:$0x4]  }
0x35: {  	s9 =	rddreg [dreg:$0x5]  }
0x36: {  	[tilespmem:s2], [sflag:$0x8] =	stream.linear.gather [hbm4b:s1+s2], $0x3000, $0x38;
	[tilespmem:$0x1B200] =	vst v63  }
0x37: {  	s10 =	rddreg [dreg:$0xf]  }
0x38: {  	[tilespmem:s10], [sflag:$0x9] =	stream.linear.gather [hbm4b:s9+s2], $0x80, $0x38;
	[tilespmem:$0x1B200] =	vst v63  }
0x39: {  	_ =	swait.ge [sflag:s5], $0x80  }
0x3a: {  	s10 =	rddreg [dreg:$0x6];
	[sflag:s5] =	ssyncset.done $0x0  }
0x3b: {  	s6 =	rddreg [dreg:$0x10];
	[sflag:s5] =	ssyncadd.s32 $0xFFFFFF80  }
0x3c: {  	[tilespmem:s6], [sflag:$0x9] =	stream.linear.gather [hbm4b:s10+s2], $0x80, $0x38;
	[tilespmem:$0x1B200] =	vst v63  }
0x3d: {  	_ =	swait.ge [sflag:s5], $0x80  }
0x3e: {  	s10 =	rddreg [dreg:$0x7];
	[sflag:s5] =	ssyncset.done $0x0  }
0x3f: {  	s6 =	rddreg [dreg:$0x11];
	[sflag:s5] =	ssyncadd.s32 $0xFFFFFF80  }
0x40: {  	[tilespmem:s6], [sflag:$0x9] =	stream.linear.gather [hbm4b:s10+s2], $0x80, $0x38;
	[tilespmem:$0x1B200] =	vst v63  }
0x41: {  	_ =	swait.ge [sflag:s5], $0x80  }
0x42: {  	s10 =	rddreg [dreg:$0x8];
	[sflag:s5] =	ssyncset.done $0x0  }
0x43: {  	s6 =	rddreg [dreg:$0x12];
	[sflag:s5] =	ssyncadd.s32 $0xFFFFFF80  }
0x44: {  	[tilespmem:s6], [sflag:$0x9] =	stream.linear.gather [hbm4b:s10+s2], $0x80, $0x38;
	[tilespmem:$0x1B200] =	vst v63  }
0x45: {  	_ =	swait.ge [sflag:s5], $0x80  }
0x46: {  	[sflag:s5] =	ssyncset.done $0x0  }
0x47: {  	[sflag:s5] =	ssyncadd.s32 $0xFFFFFF80  }
0x48: {  	v5 =	vld [tilespmem:$0x3000]  }
0x49: {  	v6 =	vld [tilespmem:$0x3010]  }
0x4a: {  	v7 =	vld [tilespmem:$0x3020]  }
0x4b: {  	v8 =	vld [tilespmem:$0x3030]  }
0x4c: {  	v9 =	vld [tilespmem:$0x3040]  }
0x4d: {  	v10 =	vld [tilespmem:$0x3050]  }
0x4e: {  	v11 =	vld [tilespmem:$0x3060]  }
0x4f: {  	v12 =	vld [tilespmem:$0x3070]  }
0x50: {  	v13 =	vld [tilespmem:$0x3080]  }
0x51: {  	v15 =	vld [tilespmem:$0x30A0]  }
0x52: {  	v16 =	vld [tilespmem:$0x30B0]  }
0x53: {  	v17 =	vld [tilespmem:$0x30C0]  }
0x54: {  	v18 =	vld [tilespmem:$0x30D0]  }
0x55: {  	v19 =	vld [tilespmem:$0x30E0]  }
0x56: {  	v20 =	vld [tilespmem:$0x30F0]  }
0x57: {  	v21 =	vld [tilespmem:$0x3100]  }
0x58: {  	v22 =	vld [tilespmem:$0x3110]  }
0x59: {  	v23 =	vld [tilespmem:$0x3120]  }
0x5a: {  	v24 =	vld [tilespmem:$0x3130]  }
0x5b: {  	v25 =	vld [tilespmem:$0x3140];
	v5 =	vcvt.s32.f32 v5  }
0x5c: {  	v26 =	vld [tilespmem:$0x3150];
	v6 =	vcvt.s32.f32 v6;
	v7 =	vcvt.s32.f32 v7  }
0x5d: {  	v27 =	vld [tilespmem:$0x3160];
	v8 =	vcvt.s32.f32 v8;
	v9 =	vcvt.s32.f32 v9  }
0x5e: {  	v28 =	vld [tilespmem:$0x3170];
	v10 =	vcvt.s32.f32 v10;
	v11 =	vcvt.s32.f32 v11  }
0x5f: {  	v29 =	vld [tilespmem:$0x3180];
	v12 =	vcvt.s32.f32 v12;
	v13 =	vcvt.s32.f32 v13  }
0x60: {  	v30 =	vld [tilespmem:$0x3190];
	v15 =	vcvt.s32.f32 v15;
	v16 =	vcvt.s32.f32 v16  }
0x61: {  	v57 =	vld [tilespmem:$0x31A0];
	v17 =	vcvt.s32.f32 v17;
	v18 =	vcvt.s32.f32 v18  }
0x62: {  	v59 =	vld [tilespmem:$0x31B0];
	v19 =	vcvt.s32.f32 v19;
	v20 =	vcvt.s32.f32 v20  }
0x63: {  	v63 =	vld [tilespmem:$0x31C0];
	v21 =	vcvt.s32.f32 v21;
	v22 =	vcvt.s32.f32 v22  }
0x64: {  	v50 =	vld [tilespmem:$0x31E0];
	v23 =	vcvt.s32.f32 v23;
	v24 =	vcvt.s32.f32 v24  }
0x65: {  	v25 =	vcvt.s32.f32 v25;
	v26 =	vcvt.s32.f32 v26  }
0x66: {  	v27 =	vcvt.s32.f32 v27;
	v28 =	vcvt.s32.f32 v28  }
0x67: {  	v29 =	vcvt.s32.f32 v29;
	v62 =	vcvt.s32.f32 v30  }
0x68: {  	v34 =	vcvt.s32.f32 v57;
	v36 =	vcvt.s32.f32 v59  }
0x69: {  	v38 =	vcvt.s32.f32 v63;
	v59 =	vcvt.s32.f32 v50  }
0x6a: {  	v5 =	vmul.f32 v5, v2;
	v6 =	vmul.f32 v6, v2  }
0x6b: {  	v7 =	vmul.f32 v7, v2;
	v8 =	vmul.f32 v8, v2  }
0x6c: {  	v9 =	vmul.f32 v9, v2;
	v10 =	vmul.f32 v10, v2  }
0x6d: {  	v11 =	vmul.f32 v11, v2;
	v12 =	vmul.f32 v12, v2  }
0x6e: {  	v13 =	vmul.f32 v13, v2;
	v15 =	vmul.f32 v15, v2  }
0x6f: {  	v16 =	vmul.f32 v16, v2;
	v17 =	vmul.f32 v17, v2  }
0x70: {  	v18 =	vmul.f32 v18, v2;
	v19 =	vmul.f32 v19, v2  }
0x71: {  	v20 =	vmul.f32 v20, v2;
	v21 =	vmul.f32 v21, v2  }
0x72: {  	v22 =	vmul.f32 v22, v2;
	v23 =	vmul.f32 v23, v2  }
0x73: {  	v24 =	vmul.f32 v24, v2;
	v25 =	vmul.f32 v25, v2  }
0x74: {  	v26 =	vmul.f32 v26, v2;
	v27 =	vmul.f32 v27, v2  }
0x75: {  	v28 =	vmul.f32 v28, v2;
	v29 =	vmul.f32 v29, v2  }
0x76: {  	v32 =	vmul.f32 v62, v2;
	v39 =	vmul.f32 v36, v2  }
0x77: {  	v42 =	vmul.f32 v38, v2;
	v5 =	vtrunc.f32 v5  }
0x78: {  	v6 =	vtrunc.f32 v6;
	v7 =	vtrunc.f32 v7  }
0x79: {  	v8 =	vtrunc.f32 v8;
	v9 =	vtrunc.f32 v9  }
0x7a: {  	v10 =	vtrunc.f32 v10;
	v11 =	vtrunc.f32 v11  }
0x7b: {  	v12 =	vtrunc.f32 v12;
	v13 =	vtrunc.f32 v13  }
0x7c: {  	v15 =	vtrunc.f32 v15;
	v16 =	vtrunc.f32 v16  }
0x7d: {  	v17 =	vtrunc.f32 v17;
	v18 =	vtrunc.f32 v18  }
0x7e: {  	v19 =	vtrunc.f32 v19;
	v20 =	vtrunc.f32 v20  }
0x7f: {  	v21 =	vtrunc.f32 v21;
	v22 =	vtrunc.f32 v22  }
0x80: {  	v23 =	vtrunc.f32 v23;
	v24 =	vtrunc.f32 v24  }
0x81: {  	v25 =	vtrunc.f32 v25;
	v26 =	vtrunc.f32 v26  }
0x82: {  	v27 =	vtrunc.f32 v27;
	v28 =	vtrunc.f32 v28  }
0x83: {  	v29 =	vtrunc.f32 v29;
	v35 =	vtrunc.f32 v32  }
0x84: {  	v44 =	vtrunc.f32 v42;
	v5 =	vcvt.f32.s32 v5  }
0x85: {  	v6 =	vcvt.f32.s32 v6;
	v7 =	vcvt.f32.s32 v7  }
0x86: {  	v8 =	vcvt.f32.s32 v8;
	v9 =	vcvt.f32.s32 v9  }
0x87: {  	v10 =	vcvt.f32.s32 v10;
	v11 =	vcvt.f32.s32 v11  }
0x88: {  	v12 =	vcvt.f32.s32 v12;
	v13 =	vcvt.f32.s32 v13  }
0x89: {  	v15 =	vcvt.f32.s32 v15;
	v16 =	vcvt.f32.s32 v16  }
0x8a: {  	v17 =	vcvt.f32.s32 v17;
	v18 =	vcvt.f32.s32 v18  }
0x8b: {  	v19 =	vcvt.f32.s32 v19;
	v20 =	vcvt.f32.s32 v20  }
0x8c: {  	v21 =	vcvt.f32.s32 v21;
	v22 =	vcvt.f32.s32 v22  }
0x8d: {  	v23 =	vcvt.f32.s32 v23;
	v24 =	vcvt.f32.s32 v24  }
0x8e: {  	v25 =	vcvt.f32.s32 v25;
	v26 =	vcvt.f32.s32 v26  }
0x8f: {  	v27 =	vcvt.f32.s32 v27;
	v28 =	vcvt.f32.s32 v28;
	vm1 =	vgt.s32 v5, $0x0  }
0x90: {  	v29 =	vcvt.f32.s32 v29;
	v5 =	vnsel vm1, $0x0, v5;
	vm1 =	vgt.s32 v6, $0x0  }
0x91: {  	v55 =	vld [tilespmem:$0x3090];
	v45 =	vcvt.f32.s32 v44;
	v5 =	vmin.u32 v5, $0x28;
	v6 =	vnsel vm1, $0x0, v6  }
0x92: {  	vm1 =	vgt.s32 v7, $0x0;
	v5 =	vadd.s32 v5, v0;
	v6 =	vmin.u32 v6, $0x28  }
0x93: {  	v7 =	vnsel vm1, $0x0, v7;
	vm1 =	vgt.s32 v8, $0x0;
	v6 =	vadd.s32 v6, v0  }
0x94: {  	v7 =	vmin.u32 v7, $0x28;
	v8 =	vnsel vm1, $0x0, v8;
	vm1 =	vgt.s32 v9, $0x0  }
0x95: {  	v14 =	vmin.u32 v8, $0x28;
	v9 =	vnsel vm1, $0x0, v9;
	v54 =	vadd.s32 v7, v0  }
0x96: {  	vm1 =	vgt.s32 v10, $0x0;
	v7 =	vadd.s32 v14, v0;
	v14 =	vcvt.s32.f32 v55  }
0x97: {  	v9 =	vmin.u32 v9, $0x28;
	v10 =	vnsel vm1, $0x0, v10;
	vm1 =	vgt.s32 v11, $0x0  }
0x98: {  	v9 =	vadd.s32 v9, v0;
	v10 =	vmin.u32 v10, $0x28;
	v14 =	vmul.f32 v14, v2  }
0x99: {  	v11 =	vnsel vm1, $0x0, v11;
	vm1 =	vgt.s32 v12, $0x0;
	v10 =	vadd.s32 v10, v0  }
0x9a: {  	v11 =	vmin.u32 v11, $0x28;
	v12 =	vnsel vm1, $0x0, v12;
	v14 =	vtrunc.f32 v14  }
0x9b: {  	vm1 =	vgt.s32 v13, $0x0;
	v12 =	vmin.u32 v12, $0x28;
	v14 =	vcvt.f32.s32 v14  }
0x9c: {  	v11 =	vadd.s32 v11, v0;
	v13 =	vnsel vm1, $0x0, v13;
	v12 =	vadd.s32 v12, v0  }
0x9d: {  	v13 =	vmin.u32 v13, $0x28;
	[tilespmem:$0x3060] =	vst v11;
	v11 =	vcvt.f32.s32 v35;
	vm1 =	vgt.s32 v14, $0x0  }
0x9e: {  	v48 =	vld [tilespmem:$0x31D0];
	v13 =	vadd.s32 v13, v0;
	v14 =	vnsel vm1, $0x0, v14;
	vm1 =	vgt.s32 v15, $0x0  }
0x9f: {  	[tilespmem:$0x3080] =	vst v13;
	v13 =	vtrunc.f32 v39;
	v15 =	vnsel vm1, $0x0, v15;
	vm1 =	vgt.s32 v16, $0x0  }
0xa0: {  	v14 =	vmin.u32 v14, $0x28;
	v16 =	vnsel vm1, $0x0, v16;
	vm1 =	vgt.s32 v17, $0x0  }
0xa1: {  	[tilespmem:$0x3000] =	vst v5;
	v14 =	vadd.s32 v14, v0;
	v15 =	vmin.u32 v15, $0x28;
	v17 =	vnsel vm1, $0x0, v17  }
0xa2: {  	[tilespmem:$0x3010] =	vst v6;
	vm1 =	vgt.s32 v18, $0x0;
	v5 =	vadd.s32 v15, v0;
	v6 =	vmin.u32 v16, $0x28  }
0xa3: {  	[tilespmem:$0x3090] =	vst v14;
	v14 =	vcvt.s32.f32 v48;
	v18 =	vnsel vm1, $0x0, v18;
	vm1 =	vgt.s32 v19, $0x0  }
0xa4: {  	v60 =	vmin.u32 v17, $0x28;
	v6 =	vadd.s32 v6, v0;
	v19 =	vnsel vm1, $0x0, v19  }
0xa5: {  	[tilespmem:$0x3030] =	vst v7;
	vm1 =	vgt.s32 v20, $0x0;
	v7 =	vadd.s32 v60, v0;
	v18 =	vmin.u32 v18, $0x28  }
0xa6: {  	[tilespmem:$0x30B0] =	vst v6;
	v6 =	vcvt.f32.s32 v13;
	v20 =	vnsel vm1, $0x0, v20;
	vm1 =	vgt.s32 v21, $0x0  }
0xa7: {  	v8 =	vadd.s32 v18, v0;
	v31 =	vmin.u32 v19, $0x28;
	v19 =	vmul.f32 v34, v2  }
0xa8: {  	[tilespmem:$0x3040] =	vst v9;
	v21 =	vnsel vm1, $0x0, v21;
	vm1 =	vgt.s32 v22, $0x0;
	v9 =	vadd.s32 v31, v0  }
0xa9: {  	v33 =	vmin.u32 v20, $0x28;
	v22 =	vnsel vm1, $0x0, v22;
	vm1 =	vgt.s32 v23, $0x0  }
0xaa: {  	[tilespmem:$0x3050] =	vst v10;
	v10 =	vadd.s32 v33, v0;
	v37 =	vmin.u32 v21, $0x28;
	v41 =	vtrunc.f32 v19  }
0xab: {  	[tilespmem:$0x3070] =	vst v12;
	v23 =	vnsel vm1, $0x0, v23;
	vm1 =	vgt.s32 v24, $0x0;
	v12 =	vadd.s32 v37, v0  }
0xac: {  	v40 =	vmin.u32 v22, $0x28;
	v43 =	vcvt.f32.s32 v41;
	v24 =	vnsel vm1, $0x0, v24  }
0xad: {  	[tilespmem:$0x30A0] =	vst v5;
	vm1 =	vgt.s32 v25, $0x0;
	v5 =	vadd.s32 v40, v0;
	v46 =	vmin.u32 v23, $0x28  }
0xae: {  	[tilespmem:$0x3020] =	vst v54;
	v25 =	vnsel vm1, $0x0, v25;
	vm1 =	vgt.s32 v26, $0x0;
	v49 =	vmin.u32 v24, $0x28  }
0xaf: {  	[tilespmem:$0x30D0] =	vst v8;
	v8 =	vadd.s32 v46, v0;
	v26 =	vnsel vm1, $0x0, v26;
	vm1 =	vgt.s32 v27, $0x0  }
0xb0: {  	[tilespmem:$0x30E0] =	vst v9;
	v9 =	vadd.s32 v49, v0;
	v53 =	vmin.u32 v25, $0x28;
	v56 =	vnsel vm1, $0x0, v27  }
0xb1: {  	v52 =	vld [tilespmem:$0x31F0];
	[tilespmem:$0x3110] =	vst v5;
	vm1 =	vgt.s32 v28, $0x0;
	v54 =	vmin.u32 v26, $0x28;
	v5 =	vadd.s32 v53, v0  }
0xb2: {  	v58 =	vnsel vm1, $0x0, v28;
	vm1 =	vgt.s32 v29, $0x0;
	v15 =	vmin.u32 v56, $0x28  }
0xb3: {  	[tilespmem:$0x30C0] =	vst v7;
	v55 =	vadd.s32 v54, v0;
	v61 =	vnsel vm1, $0x0, v29;
	vm1 =	vgt.s32 v11, $0x0  }
0xb4: {  	[tilespmem:$0x30F0] =	vst v10;
	v15 =	vadd.s32 v15, v0;
	v56 =	vmin.u32 v58, $0x28;
	v7 =	vnsel vm1, $0x0, v11  }
0xb5: {  	[tilespmem:$0x3120] =	vst v8;
	vm1 =	vgt.s32 v43, $0x0;
	v57 =	vmin.u32 v61, $0x28;
	v8 =	vadd.s32 v56, v0  }
0xb6: {  	[tilespmem:$0x3100] =	vst v12;
	v11 =	vcvt.s32.f32 v52;
	v61 =	vmul.f32 v59, v2;
	v47 =	vnsel vm1, $0x0, v43  }
0xb7: {  	[tilespmem:$0x3140] =	vst v5;
	vm1 =	vgt.s32 v6, $0x0;
	v58 =	vadd.s32 v57, v0;
	v5 =	vmin.u32 v7, $0x28  }
0xb8: {  	[tilespmem:$0x3130] =	vst v9;
	v7 =	vmul.f32 v14, v2;
	v6 =	vnsel vm1, $0x0, v6;
	vm1 =	vgt.s32 v45, $0x0  }
0xb9: {  	[tilespmem:$0x3150] =	vst v55;
	v5 =	vadd.s32 v5, v0;
	v60 =	vmin.u32 v47, $0x28;
	v11 =	vmul.f32 v11, v2  }
0xba: {  	[tilespmem:$0x3160] =	vst v15;
	v62 =	vtrunc.f32 v61;
	v51 =	vnsel vm1, $0x0, v45;
	v7 =	vtrunc.f32 v7  }
0xbb: {  	[tilespmem:$0x3170] =	vst v8;
	v12 =	vadd.s32 v60, v0;
	v6 =	vmin.u32 v6, $0x28;
	v7 =	vcvt.f32.s32 v7  }
0xbc: {  	[tilespmem:$0x3180] =	vst v58;
	v8 =	vcvt.f32.s32 v62;
	v6 =	vadd.s32 v6, v0;
	v63 =	vtrunc.f32 v11  }
0xbd: {  	[tilespmem:$0x3190] =	vst v5;
	v5 =	vmin.u32 v51, $0x28;
	v9 =	vcvt.f32.s32 v63;
	vm1 =	vgt.s32 v7, $0x0  }
0xbe: {  	[tilespmem:$0x31A0] =	vst v12;
	v5 =	vadd.s32 v5, v0;
	v7 =	vnsel vm1, $0x0, v7;
	vm1 =	vgt.s32 v8, $0x0  }
0xbf: {  	[tilespmem:$0x31B0] =	vst v6;
	v6 =	vmin.u32 v7, $0x28;
	v7 =	vnsel vm1, $0x0, v8;
	vm1 =	vgt.s32 v9, $0x0  }
0xc0: {  	[tilespmem:$0x31C0] =	vst v5;
	v5 =	vnsel vm1, $0x0, v9;
	v6 =	vadd.s32 v6, v0;
	v7 =	vmin.u32 v7, $0x28  }
0xc1: {  	[tilespmem:$0x31D0] =	vst v6;
	v6 =	vadd.s32 v7, v0;
	v5 =	vmin.u32 v5, $0x28  }
0xc2: {  	[tilespmem:$0x31E0] =	vst v6;
	v5 =	vadd.s32 v5, v0  }
0xc3: {  	s6 =	simm.s32 $0x8;
	[tilespmem:$0x31F0] =	vst v5  }
0xc4: {  	_ =	swait.ge [sflag:s6], $0x3000  }
0xc5: {  	[sflag:s6] =	ssyncset.done $0x0  }
0xc6: {  	s9 =	rddreg [dreg:$0x9];
	[sflag:s6] =	ssyncadd.s32 $0xFFFFD000  }
0xc7: {  	[hbm4b:s9+s2] =	stream.linear.scatter [tilespmem:s2], [sflag:$0x7], $0x3000, $0x38;
	[tilespmem:$0x1B200] =	vst v63  }
0xc8: {  	s10 =	rddreg [dreg:$0xa]  }
0xc9: {  	[hbm4b:s10+s2] =	stream.linear.scatter [tilespmem:s2], [sflag:$0x7], $0x3000, $0x38;
	[tilespmem:$0x1B200] =	vst v63  }
0xca: {  	_ =	swait.ge [sflag:s7], $0x3000  }
0xcb: {  	[sflag:s7] =	ssyncset.done $0x0  }
0xcc: {  	[sflag:s7] =	ssyncadd.s32 $0xFFFFD000  }
0xcd: {  	_ =	swait.ge [sflag:s7], $0x3000  }
0xce: {  	[sflag:s7] =	ssyncset.done $0x0  }
0xcf: {  	[sflag:s7] =	ssyncadd.s32 $0xFFFFD000  }
0xd0: {  	v5 =	vld [tilespmem:$0x3000];
	_ =	sdelay $0x4  }
0xd1: {  	v6 =	vshll.u32 v5, $0x1  }
0xd2: {  	v5 =	vand.u32 $0x7, v5;
	v6 =	vand.u32 $0xFFFFFFF0, v6  }
0xd3: {  	v5 =	vor.u32 v5, v6  }
0xd4: {  	v6 =	vperm.xlane v5, v1;
	_ =	sdelay $0x1  }
0xd5: {  	v5 =	vperm.xlane v5, v4;
	v6 =	vadd.s32 v3, v6;
	_ =	sdelay $0x1  }
0xd6: {  	v5 =	vadd.s32 v3, v5;
	_ =	sdelay $0x2  }
0xd7: {  	[tilespmem:s8], [sflag:$0x1] =	stream.indirect_vreg.gather [hbm4b:s3+s2], $0x80, v6, vm0, $0xb8;
	[tilespmem:$0x1B200] =	vst v63  }
0xd8: {  	s10 =	simm.s32 $0x3A00  }
0xd9: {  	[tilespmem:s10], [sflag:$0x1] =	stream.indirect_vreg.gather [hbm4b:s3+s2], $0x80, v5, vm0, $0xb8;
	[tilespmem:$0x1B200] =	vst v63  }
0xda: {  	v5 =	vld [tilespmem:$0x3010];
	_ =	sdelay $0x4  }
0xdb: {  	v6 =	vshll.u32 v5, $0x1  }
0xdc: {  	v5 =	vand.u32 $0x7, v5;
	v6 =	vand.u32 $0xFFFFFFF0, v6  }
0xdd: {  	v5 =	vor.u32 v5, v6  }
0xde: {  	v6 =	vperm.xlane v5, v1;
	_ =	sdelay $0x1  }
0xdf: {  	v5 =	vperm.xlane v5, v4;
	v6 =	vadd.s32 v3, v6;
	_ =	sdelay $0x1  }
0xe0: {  	v5 =	vadd.s32 v3, v5;
	_ =	sdelay $0x2  }
0xe1: {  	[tilespmem:s11], [sflag:$0x1] =	stream.indirect_vreg.gather [hbm4b:s3+s2], $0x80, v6, vm0, $0xb8;
	[tilespmem:$0x1B200] =	vst v63  }
0xe2: {  	_ = 	snop  }
0xe3: {  	[tilespmem:s12], [sflag:$0x1] =	stream.indirect_vreg.gather [hbm4b:s3+s2], $0x80, v5, vm0, $0xb8;
	[tilespmem:$0x1B200] =	vst v63  }
0xe4: {  	v5 =	vld [tilespmem:$0x3020];
	_ =	sdelay $0x4  }
0xe5: {  	v6 =	vshll.u32 v5, $0x1  }
0xe6: {  	v5 =	vand.u32 $0x7, v5;
	v6 =	vand.u32 $0xFFFFFFF0, v6  }
0xe7: {  	v5 =	vor.u32 v5, v6  }
0xe8: {  	v6 =	vperm.xlane v5, v1;
	_ =	sdelay $0x1  }
0xe9: {  	v5 =	vperm.xlane v5, v4;
	v6 =	vadd.s32 v3, v6;
	_ =	sdelay $0x1  }
0xea: {  	v5 =	vadd.s32 v3, v5;
	_ =	sdelay $0x2  }
0xeb: {  	[tilespmem:s13], [sflag:$0x1] =	stream.indirect_vreg.gather [hbm4b:s3+s2], $0x80, v6, vm0, $0xb8;
	[tilespmem:$0x1B200] =	vst v63  }
0xec: {  	_ = 	snop  }
0xed: {  	[tilespmem:s14], [sflag:$0x1] =	stream.indirect_vreg.gather [hbm4b:s3+s2], $0x80, v5, vm0, $0xb8;
	[tilespmem:$0x1B200] =	vst v63  }
0xee: {  	v5 =	vld [tilespmem:$0x3030];
	_ =	sdelay $0x4  }
0xef: {  	v6 =	vshll.u32 v5, $0x1  }
0xf0: {  	v5 =	vand.u32 $0x7, v5;
	v6 =	vand.u32 $0xFFFFFFF0, v6  }
0xf1: {  	v5 =	vor.u32 v5, v6  }
0xf2: {  	v6 =	vperm.xlane v5, v1;
	_ =	sdelay $0x1  }
0xf3: {  	v5 =	vperm.xlane v5, v4;
	v6 =	vadd.s32 v3, v6;
	_ =	sdelay $0x1  }
0xf4: {  	v5 =	vadd.s32 v3, v5;
	_ =	sdelay $0x2  }
0xf5: {  	[tilespmem:s15], [sflag:$0x1] =	stream.indirect_vreg.gather [hbm4b:s3+s2], $0x80, v6, vm0, $0xb8;
	[tilespmem:$0x1B200] =	vst v63  }
0xf6: {  	_ = 	snop  }
0xf7: {  	[tilespmem:s16], [sflag:$0x1] =	stream.indirect_vreg.gather [hbm4b:s3+s2], $0x80, v5, vm0, $0xb8;
	[tilespmem:$0x1B200] =	vst v63  }
0xf8: {  	v5 =	vld [tilespmem:$0x3040];
	_ =	sdelay $0x4  }
0xf9: {  	v6 =	vshll.u32 v5, $0x1  }
0xfa: {  	v5 =	vand.u32 $0x7, v5;
	v6 =	vand.u32 $0xFFFFFFF0, v6  }
0xfb: {  	v5 =	vor.u32 v5, v6  }
0xfc: {  	v6 =	vperm.xlane v5, v1;
	_ =	sdelay $0x1  }
0xfd: {  	v5 =	vperm.xlane v5, v4;
	v6 =	vadd.s32 v3, v6;
	_ =	sdelay $0x1  }
0xfe: {  	v5 =	vadd.s32 v3, v5;
	_ =	sdelay $0x2  }
0xff: {  	[tilespmem:s17], [sflag:$0x1] =	stream.indirect_vreg.gather [hbm4b:s3+s2], $0x80, v6, vm0, $0xb8;
	[tilespmem:$0x1B200] =	vst v63  }
0x100: {  	_ = 	snop  }
0x101: {  	[tilespmem:s18], [sflag:$0x1] =	stream.indirect_vreg.gather [hbm4b:s3+s2], $0x80, v5, vm0, $0xb8;
	[tilespmem:$0x1B200] =	vst v63  }
0x102: {  	v5 =	vld [tilespmem:$0x3050];
	_ =	sdelay $0x4  }
0x103: {  	v6 =	vshll.u32 v5, $0x1  }
0x104: {  	v5 =	vand.u32 $0x7, v5;
	v6 =	vand.u32 $0xFFFFFFF0, v6  }
0x105: {  	v5 =	vor.u32 v5, v6  }
0x106: {  	v6 =	vperm.xlane v5, v1;
	_ =	sdelay $0x1  }
0x107: {  	v5 =	vperm.xlane v5, v4;
	v6 =	vadd.s32 v3, v6;
	_ =	sdelay $0x1  }
0x108: {  	v5 =	vadd.s32 v3, v5;
	_ =	sdelay $0x2  }
0x109: {  	[tilespmem:s19], [sflag:$0x1] =	stream.indirect_vreg.gather [hbm4b:s3+s2], $0x80, v6, vm0, $0xb8;
	[tilespmem:$0x1B200] =	vst v63  }
0x10a: {  	_ = 	snop  }
0x10b: {  	[tilespmem:s20], [sflag:$0x1] =	stream.indirect_vreg.gather [hbm4b:s3+s2], $0x80, v5, vm0, $0xb8;
	[tilespmem:$0x1B200] =	vst v63  }
0x10c: {  	v5 =	vld [tilespmem:$0x3060];
	_ =	sdelay $0x4  }
0x10d: {  	v6 =	vshll.u32 v5, $0x1  }
0x10e: {  	v5 =	vand.u32 $0x7, v5;
	v6 =	vand.u32 $0xFFFFFFF0, v6  }
0x10f: {  	v5 =	vor.u32 v5, v6  }
0x110: {  	v6 =	vperm.xlane v5, v1;
	_ =	sdelay $0x1  }
0x111: {  	v5 =	vperm.xlane v5, v4;
	v6 =	vadd.s32 v3, v6;
	_ =	sdelay $0x1  }
0x112: {  	v5 =	vadd.s32 v3, v5;
	_ =	sdelay $0x2  }
0x113: {  	[tilespmem:s21], [sflag:$0x1] =	stream.indirect_vreg.gather [hbm4b:s3+s2], $0x80, v6, vm0, $0xb8;
	[tilespmem:$0x1B200] =	vst v63  }
0x114: {  	_ = 	snop  }
0x115: {  	[tilespmem:s22], [sflag:$0x1] =	stream.indirect_vreg.gather [hbm4b:s3+s2], $0x80, v5, vm0, $0xb8;
	[tilespmem:$0x1B200] =	vst v63  }
0x116: {  	v5 =	vld [tilespmem:$0x3070];
	_ =	sdelay $0x4  }
0x117: {  	v6 =	vshll.u32 v5, $0x1  }
0x118: {  	v5 =	vand.u32 $0x7, v5;
	v6 =	vand.u32 $0xFFFFFFF0, v6  }
0x119: {  	v5 =	vor.u32 v5, v6  }
0x11a: {  	v6 =	vperm.xlane v5, v1;
	_ =	sdelay $0x1  }
0x11b: {  	v5 =	vperm.xlane v5, v4;
	v6 =	vadd.s32 v3, v6;
	_ =	sdelay $0x1  }
0x11c: {  	v5 =	vadd.s32 v3, v5;
	_ =	sdelay $0x2  }
0x11d: {  	[tilespmem:s23], [sflag:$0x1] =	stream.indirect_vreg.gather [hbm4b:s3+s2], $0x80, v6, vm0, $0xb8;
	[tilespmem:$0x1B200] =	vst v63  }
0x11e: {  	_ = 	snop  }
0x11f: {  	[tilespmem:s24], [sflag:$0x1] =	stream.indirect_vreg.gather [hbm4b:s3+s2], $0x80, v5, vm0, $0xb8;
	[tilespmem:$0x1B200] =	vst v63  }
0x120: {  	v5 =	vld [tilespmem:$0x3080];
	_ =	sdelay $0x4  }
0x121: {  	v6 =	vshll.u32 v5, $0x1  }
0x122: {  	v5 =	vand.u32 $0x7, v5;
	v6 =	vand.u32 $0xFFFFFFF0, v6  }
0x123: {  	v5 =	vor.u32 v5, v6  }
0x124: {  	v6 =	vperm.xlane v5, v1;
	_ =	sdelay $0x1  }
0x125: {  	v5 =	vperm.xlane v5, v4;
	v6 =	vadd.s32 v3, v6;
	_ =	sdelay $0x1  }
0x126: {  	v5 =	vadd.s32 v3, v5;
	_ =	sdelay $0x2  }
0x127: {  	[tilespmem:s25], [sflag:$0x2] =	stream.indirect_vreg.gather [hbm4b:s3+s2], $0x80, v6, vm0, $0xb8;
	[tilespmem:$0x1B200] =	vst v63  }
0x128: {  	s6 =	rddreg [dreg:$0x13]  }
0x129: {  	[tilespmem:s6], [sflag:$0x2] =	stream.indirect_vreg.gather [hbm4b:s3+s2], $0x80, v5, vm0, $0xb8;
	[tilespmem:$0x1B200] =	vst v63  }
0x12a: {  	v5 =	vld [tilespmem:$0x3090];
	_ =	sdelay $0x4  }
0x12b: {  	v6 =	vshll.u32 v5, $0x1  }
0x12c: {  	v5 =	vand.u32 $0x7, v5;
	v6 =	vand.u32 $0xFFFFFFF0, v6  }
0x12d: {  	v5 =	vor.u32 v5, v6  }
0x12e: {  	v6 =	vperm.xlane v5, v1;
	_ =	sdelay $0x1  }
0x12f: {  	v5 =	vperm.xlane v5, v4;
	v6 =	vadd.s32 v3, v6;
	_ =	sdelay $0x1  }
0x130: {  	v5 =	vadd.s32 v3, v5;
	_ =	sdelay $0x1  }
0x131: {  	s9 =	rddreg [dreg:$0x14]  }
0x132: {  	[tilespmem:s9], [sflag:$0x2] =	stream.indirect_vreg.gather [hbm4b:s3+s2], $0x80, v6, vm0, $0xb8;
	[tilespmem:$0x1B200] =	vst v63  }
0x133: {  	s6 =	rddreg [dreg:$0x15]  }
0x134: {  	[tilespmem:s6], [sflag:$0x2] =	stream.indirect_vreg.gather [hbm4b:s3+s2], $0x80, v5, vm0, $0xb8;
	[tilespmem:$0x1B200] =	vst v63  }
0x135: {  	v5 =	vld [tilespmem:$0x30A0];
	_ =	sdelay $0x4  }
0x136: {  	v6 =	vshll.u32 v5, $0x1  }
0x137: {  	v5 =	vand.u32 $0x7, v5;
	v6 =	vand.u32 $0xFFFFFFF0, v6  }
0x138: {  	v5 =	vor.u32 v5, v6  }
0x139: {  	v6 =	vperm.xlane v5, v1;
	_ =	sdelay $0x1  }
0x13a: {  	v5 =	vperm.xlane v5, v4;
	v6 =	vadd.s32 v3, v6;
	_ =	sdelay $0x1  }
0x13b: {  	v5 =	vadd.s32 v3, v5;
	_ =	sdelay $0x1  }
0x13c: {  	s9 =	rddreg [dreg:$0x16]  }
0x13d: {  	[tilespmem:s9], [sflag:$0x2] =	stream.indirect_vreg.gather [hbm4b:s3+s2], $0x80, v6, vm0, $0xb8;
	[tilespmem:$0x1B200] =	vst v63  }
0x13e: {  	s6 =	rddreg [dreg:$0x17]  }
0x13f: {  	[tilespmem:s6], [sflag:$0x2] =	stream.indirect_vreg.gather [hbm4b:s3+s2], $0x80, v5, vm0, $0xb8;
	[tilespmem:$0x1B200] =	vst v63  }
0x140: {  	v5 =	vld [tilespmem:$0x30B0];
	_ =	sdelay $0x4  }
0x141: {  	v6 =	vshll.u32 v5, $0x1  }
0x142: {  	v5 =	vand.u32 $0x7, v5;
	v6 =	vand.u32 $0xFFFFFFF0, v6  }
0x143: {  	v5 =	vor.u32 v5, v6  }
0x144: {  	v6 =	vperm.xlane v5, v1;
	_ =	sdelay $0x1  }
0x145: {  	v5 =	vperm.xlane v5, v4;
	v6 =	vadd.s32 v3, v6;
	_ =	sdelay $0x1  }
0x146: {  	v5 =	vadd.s32 v3, v5;
	_ =	sdelay $0x1  }
0x147: {  	s9 =	rddreg [dreg:$0x18]  }
0x148: {  	[tilespmem:s9], [sflag:$0x2] =	stream.indirect_vreg.gather [hbm4b:s3+s2], $0x80, v6, vm0, $0xb8;
	[tilespmem:$0x1B200] =	vst v63  }
0x149: {  	s6 =	rddreg [dreg:$0x19]  }
0x14a: {  	[tilespmem:s6], [sflag:$0x2] =	stream.indirect_vreg.gather [hbm4b:s3+s2], $0x80, v5, vm0, $0xb8;
	[tilespmem:$0x1B200] =	vst v63  }
0x14b: {  	v5 =	vld [tilespmem:$0x30C0];
	_ =	sdelay $0x4  }
0x14c: {  	v6 =	vshll.u32 v5, $0x1  }
0x14d: {  	v5 =	vand.u32 $0x7, v5;
	v6 =	vand.u32 $0xFFFFFFF0, v6  }
0x14e: {  	v5 =	vor.u32 v5, v6  }
0x14f: {  	v6 =	vperm.xlane v5, v1;
	_ =	sdelay $0x1  }
0x150: {  	v5 =	vperm.xlane v5, v4;
	v6 =	vadd.s32 v3, v6;
	_ =	sdelay $0x1  }
0x151: {  	v5 =	vadd.s32 v3, v5;
	_ =	sdelay $0x1  }
0x152: {  	s9 =	rddreg [dreg:$0x1a]  }
0x153: {  	[tilespmem:s9], [sflag:$0x2] =	stream.indirect_vreg.gather [hbm4b:s3+s2], $0x80, v6, vm0, $0xb8;
	[tilespmem:$0x1B200] =	vst v63  }
0x154: {  	s6 =	rddreg [dreg:$0x1b]  }
0x155: {  	[tilespmem:s6], [sflag:$0x2] =	stream.indirect_vreg.gather [hbm4b:s3+s2], $0x80, v5, vm0, $0xb8;
	[tilespmem:$0x1B200] =	vst v63  }
0x156: {  	v5 =	vld [tilespmem:$0x30D0];
	_ =	sdelay $0x4  }
0x157: {  	v6 =	vshll.u32 v5, $0x1  }
0x158: {  	v5 =	vand.u32 $0x7, v5;
	v6 =	vand.u32 $0xFFFFFFF0, v6  }
0x159: {  	v5 =	vor.u32 v5, v6  }
0x15a: {  	v6 =	vperm.xlane v5, v1;
	_ =	sdelay $0x1  }
0x15b: {  	v5 =	vperm.xlane v5, v4;
	v6 =	vadd.s32 v3, v6;
	_ =	sdelay $0x1  }
0x15c: {  	v5 =	vadd.s32 v3, v5;
	_ =	sdelay $0x1  }
0x15d: {  	s9 =	rddreg [dreg:$0x1c]  }
0x15e: {  	[tilespmem:s9], [sflag:$0x2] =	stream.indirect_vreg.gather [hbm4b:s3+s2], $0x80, v6, vm0, $0xb8;
	[tilespmem:$0x1B200] =	vst v63  }
0x15f: {  	s6 =	rddreg [dreg:$0x1d]  }
0x160: {  	[tilespmem:s6], [sflag:$0x2] =	stream.indirect_vreg.gather [hbm4b:s3+s2], $0x80, v5, vm0, $0xb8;
	[tilespmem:$0x1B200] =	vst v63  }
0x161: {  	v5 =	vld [tilespmem:$0x30E0];
	_ =	sdelay $0x4  }
0x162: {  	v6 =	vshll.u32 v5, $0x1  }
0x163: {  	v5 =	vand.u32 $0x7, v5;
	v6 =	vand.u32 $0xFFFFFFF0, v6  }
0x164: {  	v5 =	vor.u32 v5, v6  }
0x165: {  	v6 =	vperm.xlane v5, v1;
	_ =	sdelay $0x1  }
0x166: {  	v5 =	vperm.xlane v5, v4;
	v6 =	vadd.s32 v3, v6;
	_ =	sdelay $0x1  }
0x167: {  	v5 =	vadd.s32 v3, v5;
	_ =	sdelay $0x1  }
0x168: {  	s9 =	rddreg [dreg:$0x1e]  }
0x169: {  	[tilespmem:s9], [sflag:$0x2] =	stream.indirect_vreg.gather [hbm4b:s3+s2], $0x80, v6, vm0, $0xb8;
	[tilespmem:$0x1B200] =	vst v63  }
0x16a: {  	s6 =	rddreg [dreg:$0x1f]  }
0x16b: {  	[tilespmem:s6], [sflag:$0x2] =	stream.indirect_vreg.gather [hbm4b:s3+s2], $0x80, v5, vm0, $0xb8;
	[tilespmem:$0x1B200] =	vst v63  }
0x16c: {  	v5 =	vld [tilespmem:$0x30F0];
	_ =	sdelay $0x4  }
0x16d: {  	v6 =	vshll.u32 v5, $0x1  }
0x16e: {  	v5 =	vand.u32 $0x7, v5;
	v6 =	vand.u32 $0xFFFFFFF0, v6  }
0x16f: {  	v5 =	vor.u32 v5, v6  }
0x170: {  	v6 =	vperm.xlane v5, v1;
	_ =	sdelay $0x1  }
0x171: {  	v5 =	vperm.xlane v5, v4;
	v6 =	vadd.s32 v3, v6;
	_ =	sdelay $0x1  }
0x172: {  	s9 =	sld [smem:$0x7ED];
	v5 =	vadd.s32 v3, v5;
	_ =	sdelay $0x1  }
0x173: {  	s6 =	sld [smem:$0x7EE]  }
0x174: {  	[tilespmem:s9], [sflag:$0x2] =	stream.indirect_vreg.gather [hbm4b:s3+s2], $0x80, v6, vm0, $0xb8;
	[tilespmem:$0x1B200] =	vst v63  }
0x175: {  	_ = 	snop  }
0x176: {  	[tilespmem:s6], [sflag:$0x2] =	stream.indirect_vreg.gather [hbm4b:s3+s2], $0x80, v5, vm0, $0xb8;
	[tilespmem:$0x1B200] =	vst v63  }
0x177: {  	v5 =	vld [tilespmem:$0x3100];
	_ =	sdelay $0x4  }
0x178: {  	v6 =	vshll.u32 v5, $0x1  }
0x179: {  	v5 =	vand.u32 $0x7, v5;
	v6 =	vand.u32 $0xFFFFFFF0, v6  }
0x17a: {  	v5 =	vor.u32 v5, v6  }
0x17b: {  	v6 =	vperm.xlane v5, v1;
	_ =	sdelay $0x1  }
0x17c: {  	v5 =	vperm.xlane v5, v4;
	v6 =	vadd.s32 v3, v6;
	_ =	sdelay $0x1  }
0x17d: {  	v5 =	vadd.s32 v3, v5;
	_ =	sdelay $0x1  }
0x17e: {  	s9 =	sld [smem:$0x7EF];
	s6 =	simm.s32 $0x13200  }
0x17f: {  	[tilespmem:s6], [sflag:$0x3] =	stream.indirect_vreg.gather [hbm4b:s3+s2], $0x80, v6, vm0, $0xb8;
	[tilespmem:$0x1B200] =	vst v63  }
0x180: {  	_ = 	snop  }
0x181: {  	[tilespmem:s9], [sflag:$0x3] =	stream.indirect_vreg.gather [hbm4b:s3+s2], $0x80, v5, vm0, $0xb8;
	[tilespmem:$0x1B200] =	vst v63  }
0x182: {  	v5 =	vld [tilespmem:$0x3110];
	_ =	sdelay $0x4  }
0x183: {  	v6 =	vshll.u32 v5, $0x1  }
0x184: {  	v5 =	vand.u32 $0x7, v5;
	v6 =	vand.u32 $0xFFFFFFF0, v6  }
0x185: {  	v5 =	vor.u32 v5, v6  }
0x186: {  	v6 =	vperm.xlane v5, v1;
	_ =	sdelay $0x1  }
0x187: {  	v5 =	vperm.xlane v5, v4;
	v6 =	vadd.s32 v3, v6;
	_ =	sdelay $0x1  }
0x188: {  	s1 =	sld [smem:$0x7F0];
	v5 =	vadd.s32 v3, v5;
	_ =	sdelay $0x1  }
0x189: {  	s9 =	sld [smem:$0x7F1]  }
0x18a: {  	[tilespmem:s1], [sflag:$0x3] =	stream.indirect_vreg.gather [hbm4b:s3+s2], $0x80, v6, vm0, $0xb8;
	[tilespmem:$0x1B200] =	vst v63  }
0x18b: {  	_ = 	snop  }
0x18c: {  	[tilespmem:s9], [sflag:$0x3] =	stream.indirect_vreg.gather [hbm4b:s3+s2], $0x80, v5, vm0, $0xb8;
	[tilespmem:$0x1B200] =	vst v63  }
0x18d: {  	v5 =	vld [tilespmem:$0x3120];
	_ =	sdelay $0x4  }
0x18e: {  	v6 =	vshll.u32 v5, $0x1  }
0x18f: {  	v5 =	vand.u32 $0x7, v5;
	v6 =	vand.u32 $0xFFFFFFF0, v6  }
0x190: {  	v5 =	vor.u32 v5, v6  }
0x191: {  	v6 =	vperm.xlane v5, v1;
	_ =	sdelay $0x1  }
0x192: {  	v5 =	vperm.xlane v5, v4;
	v6 =	vadd.s32 v3, v6;
	_ =	sdelay $0x1  }
0x193: {  	s1 =	sld [smem:$0x7F2];
	v5 =	vadd.s32 v3, v5;
	_ =	sdelay $0x1  }
0x194: {  	s9 =	sld [smem:$0x7F3]  }
0x195: {  	[tilespmem:s1], [sflag:$0x3] =	stream.indirect_vreg.gather [hbm4b:s3+s2], $0x80, v6, vm0, $0xb8;
	[tilespmem:$0x1B200] =	vst v63  }
0x196: {  	_ = 	snop  }
0x197: {  	[tilespmem:s9], [sflag:$0x3] =	stream.indirect_vreg.gather [hbm4b:s3+s2], $0x80, v5, vm0, $0xb8;
	[tilespmem:$0x1B200] =	vst v63  }
0x198: {  	v5 =	vld [tilespmem:$0x3130];
	_ =	sdelay $0x4  }
0x199: {  	v6 =	vshll.u32 v5, $0x1  }
0x19a: {  	v5 =	vand.u32 $0x7, v5;
	v6 =	vand.u32 $0xFFFFFFF0, v6  }
0x19b: {  	v5 =	vor.u32 v5, v6  }
0x19c: {  	v6 =	vperm.xlane v5, v1;
	_ =	sdelay $0x1  }
0x19d: {  	v5 =	vperm.xlane v5, v4;
	v6 =	vadd.s32 v3, v6;
	_ =	sdelay $0x1  }
0x19e: {  	s1 =	sld [smem:$0x7F4];
	v5 =	vadd.s32 v3, v5;
	_ =	sdelay $0x1  }
0x19f: {  	s9 =	sld [smem:$0x7F5]  }
0x1a0: {  	[tilespmem:s1], [sflag:$0x3] =	stream.indirect_vreg.gather [hbm4b:s3+s2], $0x80, v6, vm0, $0xb8;
	[tilespmem:$0x1B200] =	vst v63  }
0x1a1: {  	_ = 	snop  }
0x1a2: {  	[tilespmem:s9], [sflag:$0x3] =	stream.indirect_vreg.gather [hbm4b:s3+s2], $0x80, v5, vm0, $0xb8;
	[tilespmem:$0x1B200] =	vst v63  }
0x1a3: {  	v5 =	vld [tilespmem:$0x3140];
	_ =	sdelay $0x4  }
0x1a4: {  	v6 =	vshll.u32 v5, $0x1  }
0x1a5: {  	v5 =	vand.u32 $0x7, v5;
	v6 =	vand.u32 $0xFFFFFFF0, v6  }
0x1a6: {  	v5 =	vor.u32 v5, v6  }
0x1a7: {  	v6 =	vperm.xlane v5, v1;
	_ =	sdelay $0x1  }
0x1a8: {  	v5 =	vperm.xlane v5, v4;
	v6 =	vadd.s32 v3, v6;
	_ =	sdelay $0x1  }
0x1a9: {  	s1 =	sld [smem:$0x7F6];
	v5 =	vadd.s32 v3, v5;
	_ =	sdelay $0x1  }
0x1aa: {  	s9 =	sld [smem:$0x7F7]  }
0x1ab: {  	[tilespmem:s1], [sflag:$0x3] =	stream.indirect_vreg.gather [hbm4b:s3+s2], $0x80, v6, vm0, $0xb8;
	[tilespmem:$0x1B200] =	vst v63  }
0x1ac: {  	_ = 	snop  }
0x1ad: {  	[tilespmem:s9], [sflag:$0x3] =	stream.indirect_vreg.gather [hbm4b:s3+s2], $0x80, v5, vm0, $0xb8;
	[tilespmem:$0x1B200] =	vst v63  }
0x1ae: {  	v5 =	vld [tilespmem:$0x3150];
	_ =	sdelay $0x4  }
0x1af: {  	v6 =	vshll.u32 v5, $0x1  }
0x1b0: {  	v5 =	vand.u32 $0x7, v5;
	v6 =	vand.u32 $0xFFFFFFF0, v6  }
0x1b1: {  	v5 =	vor.u32 v5, v6  }
0x1b2: {  	v6 =	vperm.xlane v5, v1;
	_ =	sdelay $0x1  }
0x1b3: {  	v5 =	vperm.xlane v5, v4;
	v6 =	vadd.s32 v3, v6;
	_ =	sdelay $0x1  }
0x1b4: {  	s1 =	sld [smem:$0x7F8];
	v5 =	vadd.s32 v3, v5;
	_ =	sdelay $0x1  }
0x1b5: {  	s9 =	sld [smem:$0x7F9]  }
0x1b6: {  	[tilespmem:s1], [sflag:$0x3] =	stream.indirect_vreg.gather [hbm4b:s3+s2], $0x80, v6, vm0, $0xb8;
	[tilespmem:$0x1B200] =	vst v63  }
0x1b7: {  	_ = 	snop  }
0x1b8: {  	[tilespmem:s9], [sflag:$0x3] =	stream.indirect_vreg.gather [hbm4b:s3+s2], $0x80, v5, vm0, $0xb8;
	[tilespmem:$0x1B200] =	vst v63  }
0x1b9: {  	v5 =	vld [tilespmem:$0x3160];
	_ =	sdelay $0x4  }
0x1ba: {  	v6 =	vshll.u32 v5, $0x1  }
0x1bb: {  	v5 =	vand.u32 $0x7, v5;
	v6 =	vand.u32 $0xFFFFFFF0, v6  }
0x1bc: {  	v5 =	vor.u32 v5, v6  }
0x1bd: {  	v6 =	vperm.xlane v5, v1;
	_ =	sdelay $0x1  }
0x1be: {  	v5 =	vperm.xlane v5, v4;
	v6 =	vadd.s32 v3, v6;
	_ =	sdelay $0x1  }
0x1bf: {  	s1 =	sld [smem:$0x7FA];
	v5 =	vadd.s32 v3, v5;
	_ =	sdelay $0x1  }
0x1c0: {  	s9 =	sld [smem:$0x7FB]  }
0x1c1: {  	[tilespmem:s1], [sflag:$0x3] =	stream.indirect_vreg.gather [hbm4b:s3+s2], $0x80, v6, vm0, $0xb8;
	[tilespmem:$0x1B200] =	vst v63  }
0x1c2: {  	_ = 	snop  }
0x1c3: {  	[tilespmem:s9], [sflag:$0x3] =	stream.indirect_vreg.gather [hbm4b:s3+s2], $0x80, v5, vm0, $0xb8;
	[tilespmem:$0x1B200] =	vst v63  }
0x1c4: {  	v5 =	vld [tilespmem:$0x3170];
	_ =	sdelay $0x4  }
0x1c5: {  	v6 =	vshll.u32 v5, $0x1  }
0x1c6: {  	v5 =	vand.u32 $0x7, v5;
	v6 =	vand.u32 $0xFFFFFFF0, v6  }
0x1c7: {  	v5 =	vor.u32 v5, v6  }
0x1c8: {  	v6 =	vperm.xlane v5, v1;
	_ =	sdelay $0x1  }
0x1c9: {  	v5 =	vperm.xlane v5, v4;
	v6 =	vadd.s32 v3, v6;
	_ =	sdelay $0x1  }
0x1ca: {  	s1 =	sld [smem:$0x7FC];
	v5 =	vadd.s32 v3, v5;
	_ =	sdelay $0x1  }
0x1cb: {  	s9 =	sld [smem:$0x7FD]  }
0x1cc: {  	[tilespmem:s1], [sflag:$0x3] =	stream.indirect_vreg.gather [hbm4b:s3+s2], $0x80, v6, vm0, $0xb8;
	[tilespmem:$0x1B200] =	vst v63  }
0x1cd: {  	_ = 	snop  }
0x1ce: {  	[tilespmem:s9], [sflag:$0x3] =	stream.indirect_vreg.gather [hbm4b:s3+s2], $0x80, v5, vm0, $0xb8;
	[tilespmem:$0x1B200] =	vst v63  }
0x1cf: {  	_ =	swait.ge [sflag:s26], $0x8000  }
0x1d0: {  	[sflag:s26] =	ssyncset.done $0x0  }
0x1d1: {  	s9 =	rddreg [dreg:$0xb];
	[sflag:s26] =	ssyncadd.s32 $0xFFFF8000  }
0x1d2: {  	[hbm4b:s9+s2] =	stream.linear.scatter [tilespmem:s8], [sflag:$0x4], $0x8000, $0x38;
	[tilespmem:$0x1B200] =	vst v63  }
0x1d3: {  	_ =	swait.ge [sflag:s28], $0x8000  }
0x1d4: {  	[sflag:s28] =	ssyncset.done $0x0  }
0x1d5: {  	s9 =	rddreg [dreg:$0xc];
	[sflag:s28] =	ssyncadd.s32 $0xFFFF8000  }
0x1d6: {  	[hbm4b:s9+s2] =	stream.linear.scatter [tilespmem:s25], [sflag:$0x5], $0x8000, $0x38;
	[tilespmem:$0x1B200] =	vst v63  }
0x1d7: {  	_ =	swait.ge [sflag:s29], $0x8000  }
0x1d8: {  	[sflag:s29] =	ssyncset.done $0x0  }
0x1d9: {  	s9 =	rddreg [dreg:$0xd];
	[sflag:s29] =	ssyncadd.s32 $0xFFFF8000  }
0x1da: {  	[hbm4b:s9+s2] =	stream.linear.scatter [tilespmem:s6], [sflag:$0x6], $0x8000, $0x38;
	[tilespmem:$0x1B200] =	vst v63  }
0x1db: {  	_ =	swait.ge [sflag:s30], $0x8000  }
0x1dc: {  	[sflag:s30] =	ssyncset.done $0x0  }
0x1dd: {  	[sflag:s30] =	ssyncadd.s32 $0xFFFF8000  }
0x1de: {  	v5 =	vld [tilespmem:$0x3180];
	_ =	sdelay $0x4  }
0x1df: {  	v6 =	vshll.u32 v5, $0x1  }
0x1e0: {  	v5 =	vand.u32 $0x7, v5;
	v6 =	vand.u32 $0xFFFFFFF0, v6  }
0x1e1: {  	v5 =	vor.u32 v5, v6  }
0x1e2: {  	v6 =	vperm.xlane v5, v1;
	_ =	sdelay $0x1  }
0x1e3: {  	v5 =	vperm.xlane v5, v4;
	v6 =	vadd.s32 v3, v6;
	_ =	sdelay $0x1  }
0x1e4: {  	v5 =	vadd.s32 v3, v5;
	_ =	sdelay $0x2  }
0x1e5: {  	[tilespmem:s8], [sflag:$0x1] =	stream.indirect_vreg.gather [hbm4b:s3+s2], $0x80, v6, vm0, $0xb8;
	[tilespmem:$0x1B200] =	vst v63  }
0x1e6: {  	_ = 	snop  }
0x1e7: {  	[tilespmem:s10], [sflag:$0x1] =	stream.indirect_vreg.gather [hbm4b:s3+s2], $0x80, v5, vm0, $0xb8;
	[tilespmem:$0x1B200] =	vst v63  }
0x1e8: {  	v5 =	vld [tilespmem:$0x3190];
	_ =	sdelay $0x4  }
0x1e9: {  	v6 =	vshll.u32 v5, $0x1  }
0x1ea: {  	v5 =	vand.u32 $0x7, v5;
	v6 =	vand.u32 $0xFFFFFFF0, v6  }
0x1eb: {  	v5 =	vor.u32 v5, v6  }
0x1ec: {  	v6 =	vperm.xlane v5, v1;
	_ =	sdelay $0x1  }
0x1ed: {  	v5 =	vperm.xlane v5, v4;
	v6 =	vadd.s32 v3, v6;
	_ =	sdelay $0x1  }
0x1ee: {  	v5 =	vadd.s32 v3, v5;
	_ =	sdelay $0x2  }
0x1ef: {  	[tilespmem:s11], [sflag:$0x1] =	stream.indirect_vreg.gather [hbm4b:s3+s2], $0x80, v6, vm0, $0xb8;
	[tilespmem:$0x1B200] =	vst v63  }
0x1f0: {  	_ = 	snop  }
0x1f1: {  	[tilespmem:s12], [sflag:$0x1] =	stream.indirect_vreg.gather [hbm4b:s3+s2], $0x80, v5, vm0, $0xb8;
	[tilespmem:$0x1B200] =	vst v63  }
0x1f2: {  	v5 =	vld [tilespmem:$0x31A0];
	_ =	sdelay $0x4  }
0x1f3: {  	v6 =	vshll.u32 v5, $0x1  }
0x1f4: {  	v5 =	vand.u32 $0x7, v5;
	v6 =	vand.u32 $0xFFFFFFF0, v6  }
0x1f5: {  	v5 =	vor.u32 v5, v6  }
0x1f6: {  	v6 =	vperm.xlane v5, v1;
	_ =	sdelay $0x1  }
0x1f7: {  	v5 =	vperm.xlane v5, v4;
	v6 =	vadd.s32 v3, v6;
	_ =	sdelay $0x1  }
0x1f8: {  	v5 =	vadd.s32 v3, v5;
	_ =	sdelay $0x2  }
0x1f9: {  	[tilespmem:s13], [sflag:$0x1] =	stream.indirect_vreg.gather [hbm4b:s3+s2], $0x80, v6, vm0, $0xb8;
	[tilespmem:$0x1B200] =	vst v63  }
0x1fa: {  	_ = 	snop  }
0x1fb: {  	[tilespmem:s14], [sflag:$0x1] =	stream.indirect_vreg.gather [hbm4b:s3+s2], $0x80, v5, vm0, $0xb8;
	[tilespmem:$0x1B200] =	vst v63  }
0x1fc: {  	v5 =	vld [tilespmem:$0x31B0];
	_ =	sdelay $0x4  }
0x1fd: {  	v6 =	vshll.u32 v5, $0x1  }
0x1fe: {  	v5 =	vand.u32 $0x7, v5;
	v6 =	vand.u32 $0xFFFFFFF0, v6  }
0x1ff: {  	v5 =	vor.u32 v5, v6  }
0x200: {  	v6 =	vperm.xlane v5, v1;
	_ =	sdelay $0x1  }
0x201: {  	v5 =	vperm.xlane v5, v4;
	v6 =	vadd.s32 v3, v6;
	_ =	sdelay $0x1  }
0x202: {  	v5 =	vadd.s32 v3, v5;
	_ =	sdelay $0x2  }
0x203: {  	[tilespmem:s15], [sflag:$0x1] =	stream.indirect_vreg.gather [hbm4b:s3+s2], $0x80, v6, vm0, $0xb8;
	[tilespmem:$0x1B200] =	vst v63  }
0x204: {  	_ = 	snop  }
0x205: {  	[tilespmem:s16], [sflag:$0x1] =	stream.indirect_vreg.gather [hbm4b:s3+s2], $0x80, v5, vm0, $0xb8;
	[tilespmem:$0x1B200] =	vst v63  }
0x206: {  	v5 =	vld [tilespmem:$0x31C0];
	_ =	sdelay $0x4  }
0x207: {  	v6 =	vshll.u32 v5, $0x1  }
0x208: {  	v5 =	vand.u32 $0x7, v5;
	v6 =	vand.u32 $0xFFFFFFF0, v6  }
0x209: {  	v5 =	vor.u32 v5, v6  }
0x20a: {  	v6 =	vperm.xlane v5, v1;
	_ =	sdelay $0x1  }
0x20b: {  	v5 =	vperm.xlane v5, v4;
	v6 =	vadd.s32 v3, v6;
	_ =	sdelay $0x1  }
0x20c: {  	v5 =	vadd.s32 v3, v5;
	_ =	sdelay $0x2  }
0x20d: {  	[tilespmem:s17], [sflag:$0x1] =	stream.indirect_vreg.gather [hbm4b:s3+s2], $0x80, v6, vm0, $0xb8;
	[tilespmem:$0x1B200] =	vst v63  }
0x20e: {  	_ = 	snop  }
0x20f: {  	[tilespmem:s18], [sflag:$0x1] =	stream.indirect_vreg.gather [hbm4b:s3+s2], $0x80, v5, vm0, $0xb8;
	[tilespmem:$0x1B200] =	vst v63  }
0x210: {  	v5 =	vld [tilespmem:$0x31D0];
	_ =	sdelay $0x4  }
0x211: {  	v6 =	vshll.u32 v5, $0x1  }
0x212: {  	v5 =	vand.u32 $0x7, v5;
	v6 =	vand.u32 $0xFFFFFFF0, v6  }
0x213: {  	v5 =	vor.u32 v5, v6  }
0x214: {  	v6 =	vperm.xlane v5, v1;
	_ =	sdelay $0x1  }
0x215: {  	v5 =	vperm.xlane v5, v4;
	v6 =	vadd.s32 v3, v6;
	_ =	sdelay $0x1  }
0x216: {  	v5 =	vadd.s32 v3, v5;
	_ =	sdelay $0x2  }
0x217: {  	[tilespmem:s19], [sflag:$0x1] =	stream.indirect_vreg.gather [hbm4b:s3+s2], $0x80, v6, vm0, $0xb8;
	[tilespmem:$0x1B200] =	vst v63  }
0x218: {  	_ = 	snop  }
0x219: {  	[tilespmem:s20], [sflag:$0x1] =	stream.indirect_vreg.gather [hbm4b:s3+s2], $0x80, v5, vm0, $0xb8;
	[tilespmem:$0x1B200] =	vst v63  }
0x21a: {  	v5 =	vld [tilespmem:$0x31E0];
	_ =	sdelay $0x4  }
0x21b: {  	v6 =	vshll.u32 v5, $0x1  }
0x21c: {  	v5 =	vand.u32 $0x7, v5;
	v6 =	vand.u32 $0xFFFFFFF0, v6  }
0x21d: {  	v5 =	vor.u32 v5, v6  }
0x21e: {  	v6 =	vperm.xlane v5, v1;
	_ =	sdelay $0x1  }
0x21f: {  	v5 =	vperm.xlane v5, v4;
	v6 =	vadd.s32 v3, v6;
	_ =	sdelay $0x1  }
0x220: {  	v5 =	vadd.s32 v3, v5;
	_ =	sdelay $0x2  }
0x221: {  	[tilespmem:s21], [sflag:$0x1] =	stream.indirect_vreg.gather [hbm4b:s3+s2], $0x80, v6, vm0, $0xb8;
	[tilespmem:$0x1B200] =	vst v63  }
0x222: {  	_ = 	snop  }
0x223: {  	[tilespmem:s22], [sflag:$0x1] =	stream.indirect_vreg.gather [hbm4b:s3+s2], $0x80, v5, vm0, $0xb8;
	[tilespmem:$0x1B200] =	vst v63  }
0x224: {  	v5 =	vld [tilespmem:$0x31F0];
	_ =	sdelay $0x4  }
0x225: {  	v6 =	vshll.u32 v5, $0x1  }
0x226: {  	v5 =	vand.u32 $0x7, v5;
	v6 =	vand.u32 $0xFFFFFFF0, v6  }
0x227: {  	v5 =	vor.u32 v5, v6  }
0x228: {  	v6 =	vperm.xlane v5, v1;
	_ =	sdelay $0x1  }
0x229: {  	v5 =	vperm.xlane v5, v4;
	v6 =	vadd.s32 v3, v6;
	_ =	sdelay $0x1  }
0x22a: {  	v5 =	vadd.s32 v3, v5;
	_ =	sdelay $0x2  }
0x22b: {  	[tilespmem:s23], [sflag:$0x1] =	stream.indirect_vreg.gather [hbm4b:s3+s2], $0x80, v6, vm0, $0xb8;
	[tilespmem:$0x1B200] =	vst v63  }
0x22c: {  	_ = 	snop  }
0x22d: {  	[tilespmem:s24], [sflag:$0x1] =	stream.indirect_vreg.gather [hbm4b:s3+s2], $0x80, v5, vm0, $0xb8;
	[tilespmem:$0x1B200] =	vst v63  }
0x22e: {  	_ =	swait.ge [sflag:s26], $0x8000  }
0x22f: {  	[sflag:s26] =	ssyncset.done $0x0  }
0x230: {  	s10 =	rddreg [dreg:$0xe];
	[sflag:s26] =	ssyncadd.s32 $0xFFFF8000  }
0x231: {  	[hbm4b:s10+s2] =	stream.linear.scatter [tilespmem:s8], [sflag:$0x4], $0x8000, $0x38;
	[tilespmem:$0x1B200] =	vst v63  }
0x232: {  	_ =	swait.ge [sflag:s31], $0x8000  }
0x233: {  	[sflag:s31] =	ssyncset.done $0x0  }
0x234: {  	[sflag:s31] =	ssyncadd.s32 $0xFFFF8000  }
0x235: {  	p0 =	sne.s32 s4, $0x1;
	_ =	swait.ge [sflag:s0], $0x8000  }
.Ltmp0:
0x236: {  	[sflag:s0] =	ssyncset.done $0x0;
	(pc) =	sbr.rel @p0 .LBB2_1-.Ltmp0, $4  }
0x237: {  	[sflag:s0] =	ssyncadd.s32 $0xFFFF8000  }
0x238: {  	_ =	swait.ge [sflag:s30], $0x8000  }
0x239: {  	[sflag:s30] =	ssyncset.done $0x0  }
0x23a: {  	s4 =	sadd.s32 $0xFFFFFFFF, s4;
	[sflag:s30] =	ssyncadd.s32 $0xFFFF8000  }
0x23b: {  	_ =	sfence.sel $0x180000  }
0x23c: {  	[bflag:$0x0] =	sbarrier.arrive $0xFFFF  }
0x23d: {  	_ =	strace $0x90000047  }
0x23e: {  	s0 =	stileid.u32;
	[bflag:$0x2] =	sbarrier.arrive $0xFFFF  }
0x23f: {  	p0 =	sne.s32 s0, $0x0;
	s0 =	rddreg [dreg:$0x3]  }
0x240: {  	s0 =	sadd.s32 @!p0 $0x100000, s0  }
0x241: {  	[sflag:s0] =	ssyncadd.tile.s32 @!p0 $0x1;
	_ =	shalt  }
.Lfunc_end2:
_tile_overlayer_lowered:
.L_overlay_start_2:
0x242: {  	(tag) =	ssettag $0x2  }
0x243: {  	s0 =	rddreg [dreg:$0x0];
	s2 =	stileid.u32  }
0x244: {  	s1 =	rddreg [dreg:$0x1];
	p0 =	sne.s32 s2, $0x0  }
0x245: {  	s3 =	rddreg [dreg:$0x2];
	[bflag:$0x3] =	sbarrier.arrive $0xFFFF;
	s2 =	simm.s32 @!p0 $0x1C09  }
0x246: {  	[timem:s3], [sflag:s2] =	dma.local @!p0 [hbm:s0], s1  }
0x247: {  	s0 =	simm.s32 @!p0 $0x9  }
0x248: {  	_ =	swait.ge @!p0 [sflag:s0], s1  }
0x249: {  	s1 =	ssub.s32 @!p0 $0x0, s1;
	[sflag:s0] =	ssyncset.done @!p0 $0x0  }
0x24a: {  	[sflag:s0] =	ssyncadd.s32 @!p0 s1  }
0x24b: {  	[bflag:$0x3] =	sbarrier.arrive $0xFFFF  }
0x24c: {  	_ =	shalt  }

</sc_bundles>
